<compile_context>
chip_gen: v7x
topology: tpu7x:2x2x1
jax: 0.10.2.dev20260603
libtpu: 0.0.44.dev20260713+nightly
codegen_flags: <defaults>
</compile_context>

<pallas_src>
import jax
import jax.numpy as jnp
from jax import lax
from jax.experimental import pallas as pl
from jax.experimental.pallas import tpu as pltpu
from jax.experimental.pallas import tpu_sc as plsc

N_EMB = 16384
D = 512
DP = D // 2
N_TRIPLETS = 200000
MARGIN = 1.0

NW = 32
T_LO = 6248
T_HI = 6256
CHUNK = 32
N_CHUNKS = 198


def _tl_body(emb_hbm, trip_hbm, out_hbm,
             raw_v,
             ia0, ip0, iq0, ia1, ip1, iq1, ia2, ip2, iq2,
             a0, p0, n0, a1, p1, n1, a2, p2, n2,
             loss_v, sem0, sem1, sem2):
    idx_slots = [(ia0, ip0, iq0), (ia1, ip1, iq1), (ia2, ip2, iq2)]
    row_slots = [(a0, p0, n0), (a1, p1, n1), (a2, p2, n2)]
    sems = [sem0, sem1, sem2]
    cid = lax.axis_index("c")
    sid = lax.axis_index("s")
    wid = sid * 2 + cid
    n_t = jnp.where(wid < 24, T_LO, T_HI)
    base = wid * T_LO + jnp.maximum(wid - 24, 0) * 8

    pltpu.sync_copy(trip_hbm.at[pl.ds(base, T_HI)], raw_v)

    lanes = lax.iota(jnp.int32, 16)
    lanes_hi = lanes + 16
    zero16 = jnp.zeros((16,), jnp.float32)
    max_slot = T_HI - 1

    def issue(g, ia, ip, iq, a_b, p_b, n_b, sem):
        off = g * CHUNK
        slot_lo = jnp.minimum(off + lanes, max_slot)
        slot_hi = jnp.minimum(off + lanes_hi, max_slot)
        for col_id, ibuf in ((0, ia), (1, ip), (2, iq)):
            col = jnp.full((16,), col_id, jnp.int32)
            ibuf[pl.ds(0, 16)] = plsc.load_gather(raw_v, [slot_lo, col])
            ibuf[pl.ds(16, 16)] = plsc.load_gather(raw_v, [slot_hi, col])
        pltpu.async_copy(emb_hbm.at[ia], a_b, sem)
        pltpu.async_copy(emb_hbm.at[ip], p_b, sem)
        pltpu.async_copy(emb_hbm.at[iq], n_b, sem)

    def drain(a_b, p_b, n_b, ia, sem):
        pltpu.make_async_copy(emb_hbm.at[ia], a_b, sem).wait()
        pltpu.make_async_copy(emb_hbm.at[ia], p_b, sem).wait()
        pltpu.make_async_copy(emb_hbm.at[ia], n_b, sem).wait()

    def compute(g, a_b, p_b, n_b, loss_acc):
        def pair_terms(wa, wp, wn):
            ba = plsc.bitcast(wa, jnp.bfloat16)
            bp = plsc.bitcast(wp, jnp.bfloat16)
            bn = plsc.bitcast(wn, jnp.bfloat16)
            d = bp - bn
            f = (bp + bn) - (ba + ba)
            prod = d * f
            return plsc.unpack(prod, format=plsc.PackFormat.INTERLEAVED,
                               preferred_element_type=jnp.float32)

        def d_body(c, carry):
            acc0, acc1, acc2, acc3 = carry
            col = (lanes + c) & (DP - 1)
            a0 = plsc.load_gather(a_b, [lanes, col])
            p0 = plsc.load_gather(p_b, [lanes, col])
            n0 = plsc.load_gather(n_b, [lanes, col])
            a1 = plsc.load_gather(a_b, [lanes_hi, col])
            p1 = plsc.load_gather(p_b, [lanes_hi, col])
            n1 = plsc.load_gather(n_b, [lanes_hi, col])
            lo0, hi0 = pair_terms(a0, p0, n0)
            lo1, hi1 = pair_terms(a1, p1, n1)
            return (acc0 + lo0, acc1 + hi0, acc2 + lo1, acc3 + hi1)

        acc0, acc1, acc2, acc3 = lax.fori_loop(
            0, DP, d_body, (zero16, zero16, zero16, zero16), unroll=4)
        slot = g * CHUNK
        l0 = jnp.maximum((acc0 + acc1) + MARGIN, 0.0)
        l1 = jnp.maximum((acc2 + acc3) + MARGIN, 0.0)
        l0 = jnp.where(slot + lanes < n_t, l0, 0.0)
        l1 = jnp.where(slot + lanes_hi < n_t, l1, 0.0)
        return loss_acc + l0 + l1

    for s in range(3):
        issue(s, *idx_slots[s], *row_slots[s], sems[s])

    def tri_body(q, loss_acc):
        g0 = 3 * q
        for s in range(3):
            g = g0 + s
            drain(*row_slots[s], idx_slots[s][0], sems[s])
            loss_acc = compute(g, *row_slots[s], loss_acc)

            @pl.when(g + 3 < N_CHUNKS)
            def _(g=g, s=s):
                issue(g + 3, *idx_slots[s], *row_slots[s], sems[s])

        return loss_acc

    loss_acc = lax.fori_loop(0, N_CHUNKS // 3, tri_body, zero16)
    loss_v[...] = loss_acc
    pltpu.sync_copy(loss_v, out_hbm.at[wid])


@jax.jit
def _tl_call(emb_packed, trip_flat):
    mesh = plsc.VectorSubcoreMesh(core_axis_name="c", subcore_axis_name="s")
    row = pltpu.VMEM((CHUNK, DP), jnp.int32)
    idxb = pltpu.VMEM((CHUNK,), jnp.int32)
    fn = pl.kernel(
        _tl_body,
        out_type=jax.ShapeDtypeStruct((NW, 16), jnp.float32),
        mesh=mesh,
        scratch_types=(
            [pltpu.VMEM((T_HI, 3), jnp.int32)]
            + [idxb] * 9
            + [row] * 9
            + [pltpu.VMEM((16,), jnp.float32)]
            + [pltpu.SemaphoreType.DMA] * 3
        ),
        compiler_params=pltpu.CompilerParams(
            use_tc_tiling_on_sc=False, needs_layout_passes=False),
    )
    return fn(emb_packed, trip_flat)


PBLK = 512


def _pack_body(x_ref, o_ref):
    u = jax.lax.bitcast_convert_type(x_ref[...], jnp.uint32)
    rne = lambda w: (w + jnp.uint32(0x7FFF) + ((w >> 16) & 1)) >> 16
    packed = rne(u[:, :DP]) | (rne(u[:, DP:]) << 16)
    o_ref[...] = jax.lax.bitcast_convert_type(packed, jnp.int32)


def _pack_table(emb):
    return pl.pallas_call(
        _pack_body,
        grid=(N_EMB // PBLK,),
        in_specs=[pl.BlockSpec((PBLK, D), lambda i: (i, 0))],
        out_specs=pl.BlockSpec((PBLK, DP), lambda i: (i, 0)),
        out_shape=jax.ShapeDtypeStruct((N_EMB, DP), jnp.int32),
    )(emb)


def kernel(embeddings, target, triplets):
    del target
    partials = _tl_call(_pack_table(embeddings), triplets)
    return (jnp.sum(partials) / N_TRIPLETS, triplets.shape[0])

# --- scband reference (transcript-rebuilt; emitter-appended) ---
"""Pipeline reference for scband-triplet-loss-65017214927041 (READ-ONLY COPY).

The authoritative reference and input builder live on the scoring server;
editing this copy changes nothing except your own understanding.
"""

import jax, jax.numpy as jnp
import numpy as np

N_EMB = 16384
D = 512
N_CLASSES = 64
N_TRIPLETS = 200000
MARGIN = 1.0


def setup_inputs(seed: int = 0) -> dict:
    key = jax.random.key(seed)
    k1, k2, k3 = jax.random.split(key, 3)
    embeddings = jax.random.normal(k1, (N_EMB, D), dtype=jnp.float32)
    target = jax.random.randint(k2, (N_EMB,), 0, N_CLASSES, dtype=jnp.int32)
    triplets = jax.random.randint(k3, (N_TRIPLETS, 3), 0, N_EMB, dtype=jnp.int32)
    return {"embeddings": embeddings, "target": target, "triplets": triplets}


def reference(embeddings, target, triplets):
    # triplets[:, 0] = anchor idx, triplets[:, 1] = positive idx, triplets[:, 2] = negative idx
    anchors = jnp.take(embeddings, triplets[:, 0], axis=0)
    positives = jnp.take(embeddings, triplets[:, 1], axis=0)
    negatives = jnp.take(embeddings, triplets[:, 2], axis=0)
    p_dist = jnp.sum(jnp.square(anchors - positives), axis=1)
    n_dist = jnp.sum(jnp.square(anchors - negatives), axis=1)
    losses = jax.nn.relu(p_dist - n_dist + MARGIN)
    return (jnp.mean(losses), triplets.shape[0])

if __name__ == "__main__":
    import jax
    _d = setup_inputs()
    print(jax.jit(kernel)(*tuple(_d.values())))

</pallas_src>

<mosaic_0001>
#map = affine_map<(d0, d1) -> (0, 0)>
module attributes {stable_mosaic.version = 14 : i64} {
  func.func @_tl_body(%arg0: i32, %arg1: i32, %arg2: memref<16384x256xi32, #tpu.memory_space<hbm>>, %arg3: memref<200000x3xi32, #tpu.memory_space<hbm>>, %arg4: memref<32x16xf32, #tpu.memory_space<hbm>>, %arg5: memref<6256x3xi32, #tpu.memory_space<vmem>>, %arg6: memref<32xi32, #tpu.memory_space<vmem>>, %arg7: memref<32xi32, #tpu.memory_space<vmem>>, %arg8: memref<32xi32, #tpu.memory_space<vmem>>, %arg9: memref<32xi32, #tpu.memory_space<vmem>>, %arg10: memref<32xi32, #tpu.memory_space<vmem>>, %arg11: memref<32xi32, #tpu.memory_space<vmem>>, %arg12: memref<32xi32, #tpu.memory_space<vmem>>, %arg13: memref<32xi32, #tpu.memory_space<vmem>>, %arg14: memref<32xi32, #tpu.memory_space<vmem>>, %arg15: memref<32x256xi32, #tpu.memory_space<vmem>>, %arg16: memref<32x256xi32, #tpu.memory_space<vmem>>, %arg17: memref<32x256xi32, #tpu.memory_space<vmem>>, %arg18: memref<32x256xi32, #tpu.memory_space<vmem>>, %arg19: memref<32x256xi32, #tpu.memory_space<vmem>>, %arg20: memref<32x256xi32, #tpu.memory_space<vmem>>, %arg21: memref<32x256xi32, #tpu.memory_space<vmem>>, %arg22: memref<32x256xi32, #tpu.memory_space<vmem>>, %arg23: memref<32x256xi32, #tpu.memory_space<vmem>>, %arg24: memref<16xf32, #tpu.memory_space<vmem>>, %arg25: memref<!tpu.dma_semaphore, #tpu.memory_space<semaphore_mem>>, %arg26: memref<!tpu.dma_semaphore, #tpu.memory_space<semaphore_mem>>, %arg27: memref<!tpu.dma_semaphore, #tpu.memory_space<semaphore_mem>>) attributes {dimension_semantics = [#tpu.dimension_semantics<core_parallel>, #tpu.dimension_semantics<subcore_parallel>], iteration_bounds = array<i64: 2, 16>, scalar_prefetch = 0 : i64, scratch_operands = 23 : i64, tpu.core_type = #tpu.core_type<sc_vector_subcore>, window_params = [{transform_indices = #map}, {transform_indices = #map}, {transform_indices = #map}]} {
    %mul3A = arith.constant 2 : i32
    %mul3A_0 = arith.muli %arg1, %mul3A : i32
    %add3A = arith.addi %mul3A_0, %arg0 : i32
    %lt3A = arith.constant 24 : i32
    %lt3A_1 = arith.cmpi slt, %add3A, %lt3A : i32
    %jit3A = arith.constant 6248 : i32
    %jit3A_2 = arith.constant 6256 : i32
    %select_n3A = arith.select %lt3A_1, %jit3A, %jit3A_2 : i32
    %mul3A_3 = arith.constant 6248 : i32
    %mul3A_4 = arith.muli %add3A, %mul3A_3 : i32
    %sub3A = arith.constant 24 : i32
    %sub3A_5 = arith.subi %add3A, %sub3A : i32
    %max3A = arith.constant 0 : i32
    %max3A_6 = arith.maxsi %sub3A_5, %max3A : i32
    %mul3A_7 = arith.constant 8 : i32
    %mul3A_8 = arith.muli %max3A_6, %mul3A_7 : i32
    %add3A_9 = arith.addi %mul3A_4, %mul3A_8 : i32
    "tpu.region"() ({
      %run_scoped3A = tpu.sem_alloc : memref<!tpu.dma_semaphore, #tpu.memory_space<semaphore_mem>>
      %dma_start3A_152 = arith.constant 0 : i32
      %dma_start3A_153 = tpu.memref_slice %arg3[%add3A_9, %dma_start3A_152] : memref<200000x3xi32, #tpu.memory_space<hbm>> -> memref<6256x3xi32, #tpu.memory_space<hbm>>
      %dma_start3A_154 = arith.constant 0 : i32
      %dma_start3A_155 = tpu.memref_slice %arg3[%add3A_9, %dma_start3A_154] : memref<200000x3xi32, #tpu.memory_space<hbm>> -> memref<6256x3xi32, #tpu.memory_space<hbm>>
      tpu.enqueue_dma source(%dma_start3A_155 : memref<6256x3xi32, #tpu.memory_space<hbm>>) target(%arg5 : memref<6256x3xi32, #tpu.memory_space<vmem>>) target_semaphore(%run_scoped3A : memref<!tpu.dma_semaphore, #tpu.memory_space<semaphore_mem>>)
      %dma_wait3A = arith.constant 0 : i32
      %dma_wait3A_156 = tpu.memref_slice %arg3[%add3A_9, %dma_wait3A] : memref<200000x3xi32, #tpu.memory_space<hbm>> -> memref<6256x3xi32, #tpu.memory_space<hbm>>
      %dma_wait3A_157 = arith.constant 0 : i32
      %dma_wait3A_158 = tpu.memref_slice %arg3[%add3A_9, %dma_wait3A_157] : memref<200000x3xi32, #tpu.memory_space<hbm>> -> memref<6256x3xi32, #tpu.memory_space<hbm>>
      tpu.wait_dma2 semaphore(%run_scoped3A : memref<!tpu.dma_semaphore, #tpu.memory_space<semaphore_mem>>) src(%dma_wait3A_158 : memref<6256x3xi32, #tpu.memory_space<hbm>>) dst(%arg5 : memref<6256x3xi32, #tpu.memory_space<vmem>>)
      tpu.yield
    }) : () -> ()
    %iota3A = tpu.iota {dimensions = array<i32: 0>} : vector<16xi32>
    %add3A_10 = arith.constant 16 : i32
    %add3A_11 = vector.broadcast %add3A_10 : i32 to vector<16xi32>
    %add3A_12 = arith.addi %iota3A, %add3A_11 : vector<16xi32>
    %broadcast_in_dim3A = arith.constant 0.000000e+00 : f32
    %broadcast_in_dim3A_13 = vector.broadcast %broadcast_in_dim3A : f32 to vector<16xf32>
    %add3A_14 = arith.constant 0 : i32
    %add3A_15 = vector.broadcast %add3A_14 : i32 to vector<16xi32>
    %add3A_16 = arith.addi %add3A_15, %iota3A : vector<16xi32>
    %min3A = arith.constant 6255 : i32
    %min3A_17 = vector.broadcast %min3A : i32 to vector<16xi32>
    %min3A_18 = arith.minsi %add3A_16, %min3A_17 : vector<16xi32>
    %add3A_19 = arith.constant 0 : i32
    %add3A_20 = vector.broadcast %add3A_19 : i32 to vector<16xi32>
    %add3A_21 = arith.addi %add3A_20, %add3A_12 : vector<16xi32>
    %min3A_22 = arith.constant 6255 : i32
    %min3A_23 = vector.broadcast %min3A_22 : i32 to vector<16xi32>
    %min3A_24 = arith.minsi %add3A_21, %min3A_23 : vector<16xi32>
    %broadcast_in_dim3A_25 = arith.constant 0 : i32
    %broadcast_in_dim3A_26 = vector.broadcast %broadcast_in_dim3A_25 : i32 to vector<16xi32>
    %gather3A = tpu.vector_load_idx %arg5[%min3A_18, %broadcast_in_dim3A_26] : memref<6256x3xi32, #tpu.memory_space<vmem>>[vector<16xi32>, vector<16xi32>], vector<16xi32>,
    %swap3A = arith.constant 0 : index
    %swap3A_27 = tpu.vector_load %arg6[%swap3A] {strides = array<i32>} : memref<32xi32, #tpu.memory_space<vmem>>, vector<16xi32>,
    tpu.vector_store %arg6[%swap3A], %gather3A {strides = array<i32>} : memref<32xi32, #tpu.memory_space<vmem>>, vector<16xi32>,
    %gather3A_28 = tpu.vector_load_idx %arg5[%min3A_24, %broadcast_in_dim3A_26] : memref<6256x3xi32, #tpu.memory_space<vmem>>[vector<16xi32>, vector<16xi32>], vector<16xi32>,
    %swap3A_29 = arith.constant 16 : index
    %swap3A_30 = tpu.vector_load %arg6[%swap3A_29] {strides = array<i32>} : memref<32xi32, #tpu.memory_space<vmem>>, vector<16xi32>,
    tpu.vector_store %arg6[%swap3A_29], %gather3A_28 {strides = array<i32>} : memref<32xi32, #tpu.memory_space<vmem>>, vector<16xi32>,
    %broadcast_in_dim3A_31 = arith.constant 1 : i32
    %broadcast_in_dim3A_32 = vector.broadcast %broadcast_in_dim3A_31 : i32 to vector<16xi32>
    %gather3A_33 = tpu.vector_load_idx %arg5[%min3A_18, %broadcast_in_dim3A_32] : memref<6256x3xi32, #tpu.memory_space<vmem>>[vector<16xi32>, vector<16xi32>], vector<16xi32>,
    %swap3A_34 = arith.constant 0 : index
    %swap3A_35 = tpu.vector_load %arg7[%swap3A_34] {strides = array<i32>} : memref<32xi32, #tpu.memory_space<vmem>>, vector<16xi32>,
    tpu.vector_store %arg7[%swap3A_34], %gather3A_33 {strides = array<i32>} : memref<32xi32, #tpu.memory_space<vmem>>, vector<16xi32>,
    %gather3A_36 = tpu.vector_load_idx %arg5[%min3A_24, %broadcast_in_dim3A_32] : memref<6256x3xi32, #tpu.memory_space<vmem>>[vector<16xi32>, vector<16xi32>], vector<16xi32>,
    %swap3A_37 = arith.constant 16 : index
    %swap3A_38 = tpu.vector_load %arg7[%swap3A_37] {strides = array<i32>} : memref<32xi32, #tpu.memory_space<vmem>>, vector<16xi32>,
    tpu.vector_store %arg7[%swap3A_37], %gather3A_36 {strides = array<i32>} : memref<32xi32, #tpu.memory_space<vmem>>, vector<16xi32>,
    %broadcast_in_dim3A_39 = arith.constant 2 : i32
    %broadcast_in_dim3A_40 = vector.broadcast %broadcast_in_dim3A_39 : i32 to vector<16xi32>
    %gather3A_41 = tpu.vector_load_idx %arg5[%min3A_18, %broadcast_in_dim3A_40] : memref<6256x3xi32, #tpu.memory_space<vmem>>[vector<16xi32>, vector<16xi32>], vector<16xi32>,
    %swap3A_42 = arith.constant 0 : index
    %swap3A_43 = tpu.vector_load %arg8[%swap3A_42] {strides = array<i32>} : memref<32xi32, #tpu.memory_space<vmem>>, vector<16xi32>,
    tpu.vector_store %arg8[%swap3A_42], %gather3A_41 {strides = array<i32>} : memref<32xi32, #tpu.memory_space<vmem>>, vector<16xi32>,
    %gather3A_44 = tpu.vector_load_idx %arg5[%min3A_24, %broadcast_in_dim3A_40] : memref<6256x3xi32, #tpu.memory_space<vmem>>[vector<16xi32>, vector<16xi32>], vector<16xi32>,
    %swap3A_45 = arith.constant 16 : index
    %swap3A_46 = tpu.vector_load %arg8[%swap3A_45] {strides = array<i32>} : memref<32xi32, #tpu.memory_space<vmem>>, vector<16xi32>,
    tpu.vector_store %arg8[%swap3A_45], %gather3A_44 {strides = array<i32>} : memref<32xi32, #tpu.memory_space<vmem>>, vector<16xi32>,
    %dma_start3A = arith.constant 0 : i32
    %dma_start3A_47 = arith.constant 0 : i32
    %dma_start3A_48 = tpu.memref_slice %arg2[%dma_start3A, %dma_start3A_47] : memref<16384x256xi32, #tpu.memory_space<hbm>> -> memref<16384x256xi32, #tpu.memory_space<hbm>>
    tpu.enqueue_indirect_dma source(%dma_start3A_48 : memref<16384x256xi32, #tpu.memory_space<hbm>>) target(%arg15 : memref<32x256xi32, #tpu.memory_space<vmem>>) offsets(%arg6 : memref<32xi32, #tpu.memory_space<vmem>>) semaphore(%arg25 : memref<!tpu.dma_semaphore, #tpu.memory_space<semaphore_mem>>)
    %dma_start3A_49 = arith.constant 0 : i32
    %dma_start3A_50 = arith.constant 0 : i32
    %dma_start3A_51 = tpu.memref_slice %arg2[%dma_start3A_49, %dma_start3A_50] : memref<16384x256xi32, #tpu.memory_space<hbm>> -> memref<16384x256xi32, #tpu.memory_space<hbm>>
    tpu.enqueue_indirect_dma source(%dma_start3A_51 : memref<16384x256xi32, #tpu.memory_space<hbm>>) target(%arg16 : memref<32x256xi32, #tpu.memory_space<vmem>>) offsets(%arg7 : memref<32xi32, #tpu.memory_space<vmem>>) semaphore(%arg25 : memref<!tpu.dma_semaphore, #tpu.memory_space<semaphore_mem>>)
    %dma_start3A_52 = arith.constant 0 : i32
    %dma_start3A_53 = arith.constant 0 : i32
    %dma_start3A_54 = tpu.memref_slice %arg2[%dma_start3A_52, %dma_start3A_53] : memref<16384x256xi32, #tpu.memory_space<hbm>> -> memref<16384x256xi32, #tpu.memory_space<hbm>>
    tpu.enqueue_indirect_dma source(%dma_start3A_54 : memref<16384x256xi32, #tpu.memory_space<hbm>>) target(%arg17 : memref<32x256xi32, #tpu.memory_space<vmem>>) offsets(%arg8 : memref<32xi32, #tpu.memory_space<vmem>>) semaphore(%arg25 : memref<!tpu.dma_semaphore, #tpu.memory_space<semaphore_mem>>)
    %add3A_55 = arith.constant 32 : i32
    %add3A_56 = vector.broadcast %add3A_55 : i32 to vector<16xi32>
    %add3A_57 = arith.addi %add3A_56, %iota3A : vector<16xi32>
    %min3A_58 = arith.constant 6255 : i32
    %min3A_59 = vector.broadcast %min3A_58 : i32 to vector<16xi32>
    %min3A_60 = arith.minsi %add3A_57, %min3A_59 : vector<16xi32>
    %add3A_61 = arith.constant 32 : i32
    %add3A_62 = vector.broadcast %add3A_61 : i32 to vector<16xi32>
    %add3A_63 = arith.addi %add3A_62, %add3A_12 : vector<16xi32>
    %min3A_64 = arith.constant 6255 : i32
    %min3A_65 = vector.broadcast %min3A_64 : i32 to vector<16xi32>
    %min3A_66 = arith.minsi %add3A_63, %min3A_65 : vector<16xi32>
    %broadcast_in_dim3A_67 = arith.constant 0 : i32
    %broadcast_in_dim3A_68 = vector.broadcast %broadcast_in_dim3A_67 : i32 to vector<16xi32>
    %gather3A_69 = tpu.vector_load_idx %arg5[%min3A_60, %broadcast_in_dim3A_68] : memref<6256x3xi32, #tpu.memory_space<vmem>>[vector<16xi32>, vector<16xi32>], vector<16xi32>,
    %swap3A_70 = arith.constant 0 : index
    %swap3A_71 = tpu.vector_load %arg9[%swap3A_70] {strides = array<i32>} : memref<32xi32, #tpu.memory_space<vmem>>, vector<16xi32>,
    tpu.vector_store %arg9[%swap3A_70], %gather3A_69 {strides = array<i32>} : memref<32xi32, #tpu.memory_space<vmem>>, vector<16xi32>,
    %gather3A_72 = tpu.vector_load_idx %arg5[%min3A_66, %broadcast_in_dim3A_68] : memref<6256x3xi32, #tpu.memory_space<vmem>>[vector<16xi32>, vector<16xi32>], vector<16xi32>,
    %swap3A_73 = arith.constant 16 : index
    %swap3A_74 = tpu.vector_load %arg9[%swap3A_73] {strides = array<i32>} : memref<32xi32, #tpu.memory_space<vmem>>, vector<16xi32>,
    tpu.vector_store %arg9[%swap3A_73], %gather3A_72 {strides = array<i32>} : memref<32xi32, #tpu.memory_space<vmem>>, vector<16xi32>,
    %broadcast_in_dim3A_75 = arith.constant 1 : i32
    %broadcast_in_dim3A_76 = vector.broadcast %broadcast_in_dim3A_75 : i32 to vector<16xi32>
    %gather3A_77 = tpu.vector_load_idx %arg5[%min3A_60, %broadcast_in_dim3A_76] : memref<6256x3xi32, #tpu.memory_space<vmem>>[vector<16xi32>, vector<16xi32>], vector<16xi32>,
    %swap3A_78 = arith.constant 0 : index
    %swap3A_79 = tpu.vector_load %arg10[%swap3A_78] {strides = array<i32>} : memref<32xi32, #tpu.memory_space<vmem>>, vector<16xi32>,
    tpu.vector_store %arg10[%swap3A_78], %gather3A_77 {strides = array<i32>} : memref<32xi32, #tpu.memory_space<vmem>>, vector<16xi32>,
    %gather3A_80 = tpu.vector_load_idx %arg5[%min3A_66, %broadcast_in_dim3A_76] : memref<6256x3xi32, #tpu.memory_space<vmem>>[vector<16xi32>, vector<16xi32>], vector<16xi32>,
    %swap3A_81 = arith.constant 16 : index
    %swap3A_82 = tpu.vector_load %arg10[%swap3A_81] {strides = array<i32>} : memref<32xi32, #tpu.memory_space<vmem>>, vector<16xi32>,
    tpu.vector_store %arg10[%swap3A_81], %gather3A_80 {strides = array<i32>} : memref<32xi32, #tpu.memory_space<vmem>>, vector<16xi32>,
    %broadcast_in_dim3A_83 = arith.constant 2 : i32
    %broadcast_in_dim3A_84 = vector.broadcast %broadcast_in_dim3A_83 : i32 to vector<16xi32>
    %gather3A_85 = tpu.vector_load_idx %arg5[%min3A_60, %broadcast_in_dim3A_84] : memref<6256x3xi32, #tpu.memory_space<vmem>>[vector<16xi32>, vector<16xi32>], vector<16xi32>,
    %swap3A_86 = arith.constant 0 : index
    %swap3A_87 = tpu.vector_load %arg11[%swap3A_86] {strides = array<i32>} : memref<32xi32, #tpu.memory_space<vmem>>, vector<16xi32>,
    tpu.vector_store %arg11[%swap3A_86], %gather3A_85 {strides = array<i32>} : memref<32xi32, #tpu.memory_space<vmem>>, vector<16xi32>,
    %gather3A_88 = tpu.vector_load_idx %arg5[%min3A_66, %broadcast_in_dim3A_84] : memref<6256x3xi32, #tpu.memory_space<vmem>>[vector<16xi32>, vector<16xi32>], vector<16xi32>,
    %swap3A_89 = arith.constant 16 : index
    %swap3A_90 = tpu.vector_load %arg11[%swap3A_89] {strides = array<i32>} : memref<32xi32, #tpu.memory_space<vmem>>, vector<16xi32>,
    tpu.vector_store %arg11[%swap3A_89], %gather3A_88 {strides = array<i32>} : memref<32xi32, #tpu.memory_space<vmem>>, vector<16xi32>,
    %dma_start3A_91 = arith.constant 0 : i32
    %dma_start3A_92 = arith.constant 0 : i32
    %dma_start3A_93 = tpu.memref_slice %arg2[%dma_start3A_91, %dma_start3A_92] : memref<16384x256xi32, #tpu.memory_space<hbm>> -> memref<16384x256xi32, #tpu.memory_space<hbm>>
    tpu.enqueue_indirect_dma source(%dma_start3A_93 : memref<16384x256xi32, #tpu.memory_space<hbm>>) target(%arg18 : memref<32x256xi32, #tpu.memory_space<vmem>>) offsets(%arg9 : memref<32xi32, #tpu.memory_space<vmem>>) semaphore(%arg26 : memref<!tpu.dma_semaphore, #tpu.memory_space<semaphore_mem>>)
    %dma_start3A_94 = arith.constant 0 : i32
    %dma_start3A_95 = arith.constant 0 : i32
    %dma_start3A_96 = tpu.memref_slice %arg2[%dma_start3A_94, %dma_start3A_95] : memref<16384x256xi32, #tpu.memory_space<hbm>> -> memref<16384x256xi32, #tpu.memory_space<hbm>>
    tpu.enqueue_indirect_dma source(%dma_start3A_96 : memref<16384x256xi32, #tpu.memory_space<hbm>>) target(%arg19 : memref<32x256xi32, #tpu.memory_space<vmem>>) offsets(%arg10 : memref<32xi32, #tpu.memory_space<vmem>>) semaphore(%arg26 : memref<!tpu.dma_semaphore, #tpu.memory_space<semaphore_mem>>)
    %dma_start3A_97 = arith.constant 0 : i32
    %dma_start3A_98 = arith.constant 0 : i32
    %dma_start3A_99 = tpu.memref_slice %arg2[%dma_start3A_97, %dma_start3A_98] : memref<16384x256xi32, #tpu.memory_space<hbm>> -> memref<16384x256xi32, #tpu.memory_space<hbm>>
    tpu.enqueue_indirect_dma source(%dma_start3A_99 : memref<16384x256xi32, #tpu.memory_space<hbm>>) target(%arg20 : memref<32x256xi32, #tpu.memory_space<vmem>>) offsets(%arg11 : memref<32xi32, #tpu.memory_space<vmem>>) semaphore(%arg26 : memref<!tpu.dma_semaphore, #tpu.memory_space<semaphore_mem>>)
    %add3A_100 = arith.constant 64 : i32
    %add3A_101 = vector.broadcast %add3A_100 : i32 to vector<16xi32>
    %add3A_102 = arith.addi %add3A_101, %iota3A : vector<16xi32>
    %min3A_103 = arith.constant 6255 : i32
    %min3A_104 = vector.broadcast %min3A_103 : i32 to vector<16xi32>
    %min3A_105 = arith.minsi %add3A_102, %min3A_104 : vector<16xi32>
    %add3A_106 = arith.constant 64 : i32
    %add3A_107 = vector.broadcast %add3A_106 : i32 to vector<16xi32>
    %add3A_108 = arith.addi %add3A_107, %add3A_12 : vector<16xi32>
    %min3A_109 = arith.constant 6255 : i32
    %min3A_110 = vector.broadcast %min3A_109 : i32 to vector<16xi32>
    %min3A_111 = arith.minsi %add3A_108, %min3A_110 : vector<16xi32>
    %broadcast_in_dim3A_112 = arith.constant 0 : i32
    %broadcast_in_dim3A_113 = vector.broadcast %broadcast_in_dim3A_112 : i32 to vector<16xi32>
    %gather3A_114 = tpu.vector_load_idx %arg5[%min3A_105, %broadcast_in_dim3A_113] : memref<6256x3xi32, #tpu.memory_space<vmem>>[vector<16xi32>, vector<16xi32>], vector<16xi32>,
    %swap3A_115 = arith.constant 0 : index
    %swap3A_116 = tpu.vector_load %arg12[%swap3A_115] {strides = array<i32>} : memref<32xi32, #tpu.memory_space<vmem>>, vector<16xi32>,
    tpu.vector_store %arg12[%swap3A_115], %gather3A_114 {strides = array<i32>} : memref<32xi32, #tpu.memory_space<vmem>>, vector<16xi32>,
    %gather3A_117 = tpu.vector_load_idx %arg5[%min3A_111, %broadcast_in_dim3A_113] : memref<6256x3xi32, #tpu.memory_space<vmem>>[vector<16xi32>, vector<16xi32>], vector<16xi32>,
    %swap3A_118 = arith.constant 16 : index
    %swap3A_119 = tpu.vector_load %arg12[%swap3A_118] {strides = array<i32>} : memref<32xi32, #tpu.memory_space<vmem>>, vector<16xi32>,
    tpu.vector_store %arg12[%swap3A_118], %gather3A_117 {strides = array<i32>} : memref<32xi32, #tpu.memory_space<vmem>>, vector<16xi32>,
    %broadcast_in_dim3A_120 = arith.constant 1 : i32
    %broadcast_in_dim3A_121 = vector.broadcast %broadcast_in_dim3A_120 : i32 to vector<16xi32>
    %gather3A_122 = tpu.vector_load_idx %arg5[%min3A_105, %broadcast_in_dim3A_121] : memref<6256x3xi32, #tpu.memory_space<vmem>>[vector<16xi32>, vector<16xi32>], vector<16xi32>,
    %swap3A_123 = arith.constant 0 : index
    %swap3A_124 = tpu.vector_load %arg13[%swap3A_123] {strides = array<i32>} : memref<32xi32, #tpu.memory_space<vmem>>, vector<16xi32>,
    tpu.vector_store %arg13[%swap3A_123], %gather3A_122 {strides = array<i32>} : memref<32xi32, #tpu.memory_space<vmem>>, vector<16xi32>,
    %gather3A_125 = tpu.vector_load_idx %arg5[%min3A_111, %broadcast_in_dim3A_121] : memref<6256x3xi32, #tpu.memory_space<vmem>>[vector<16xi32>, vector<16xi32>], vector<16xi32>,
    %swap3A_126 = arith.constant 16 : index
    %swap3A_127 = tpu.vector_load %arg13[%swap3A_126] {strides = array<i32>} : memref<32xi32, #tpu.memory_space<vmem>>, vector<16xi32>,
    tpu.vector_store %arg13[%swap3A_126], %gather3A_125 {strides = array<i32>} : memref<32xi32, #tpu.memory_space<vmem>>, vector<16xi32>,
    %broadcast_in_dim3A_128 = arith.constant 2 : i32
    %broadcast_in_dim3A_129 = vector.broadcast %broadcast_in_dim3A_128 : i32 to vector<16xi32>
    %gather3A_130 = tpu.vector_load_idx %arg5[%min3A_105, %broadcast_in_dim3A_129] : memref<6256x3xi32, #tpu.memory_space<vmem>>[vector<16xi32>, vector<16xi32>], vector<16xi32>,
    %swap3A_131 = arith.constant 0 : index
    %swap3A_132 = tpu.vector_load %arg14[%swap3A_131] {strides = array<i32>} : memref<32xi32, #tpu.memory_space<vmem>>, vector<16xi32>,
    tpu.vector_store %arg14[%swap3A_131], %gather3A_130 {strides = array<i32>} : memref<32xi32, #tpu.memory_space<vmem>>, vector<16xi32>,
    %gather3A_133 = tpu.vector_load_idx %arg5[%min3A_111, %broadcast_in_dim3A_129] : memref<6256x3xi32, #tpu.memory_space<vmem>>[vector<16xi32>, vector<16xi32>], vector<16xi32>,
    %swap3A_134 = arith.constant 16 : index
    %swap3A_135 = tpu.vector_load %arg14[%swap3A_134] {strides = array<i32>} : memref<32xi32, #tpu.memory_space<vmem>>, vector<16xi32>,
    tpu.vector_store %arg14[%swap3A_134], %gather3A_133 {strides = array<i32>} : memref<32xi32, #tpu.memory_space<vmem>>, vector<16xi32>,
    %dma_start3A_136 = arith.constant 0 : i32
    %dma_start3A_137 = arith.constant 0 : i32
    %dma_start3A_138 = tpu.memref_slice %arg2[%dma_start3A_136, %dma_start3A_137] : memref<16384x256xi32, #tpu.memory_space<hbm>> -> memref<16384x256xi32, #tpu.memory_space<hbm>>
    tpu.enqueue_indirect_dma source(%dma_start3A_138 : memref<16384x256xi32, #tpu.memory_space<hbm>>) target(%arg21 : memref<32x256xi32, #tpu.memory_space<vmem>>) offsets(%arg12 : memref<32xi32, #tpu.memory_space<vmem>>) semaphore(%arg27 : memref<!tpu.dma_semaphore, #tpu.memory_space<semaphore_mem>>)
    %dma_start3A_139 = arith.constant 0 : i32
    %dma_start3A_140 = arith.constant 0 : i32
    %dma_start3A_141 = tpu.memref_slice %arg2[%dma_start3A_139, %dma_start3A_140] : memref<16384x256xi32, #tpu.memory_space<hbm>> -> memref<16384x256xi32, #tpu.memory_space<hbm>>
    tpu.enqueue_indirect_dma source(%dma_start3A_141 : memref<16384x256xi32, #tpu.memory_space<hbm>>) target(%arg22 : memref<32x256xi32, #tpu.memory_space<vmem>>) offsets(%arg13 : memref<32xi32, #tpu.memory_space<vmem>>) semaphore(%arg27 : memref<!tpu.dma_semaphore, #tpu.memory_space<semaphore_mem>>)
    %dma_start3A_142 = arith.constant 0 : i32
    %dma_start3A_143 = arith.constant 0 : i32
    %dma_start3A_144 = tpu.memref_slice %arg2[%dma_start3A_142, %dma_start3A_143] : memref<16384x256xi32, #tpu.memory_space<hbm>> -> memref<16384x256xi32, #tpu.memory_space<hbm>>
    tpu.enqueue_indirect_dma source(%dma_start3A_144 : memref<16384x256xi32, #tpu.memory_space<hbm>>) target(%arg23 : memref<32x256xi32, #tpu.memory_space<vmem>>) offsets(%arg14 : memref<32xi32, #tpu.memory_space<vmem>>) semaphore(%arg27 : memref<!tpu.dma_semaphore, #tpu.memory_space<semaphore_mem>>)
    %scan3A = arith.constant 0 : i32
    %scan3A_145 = arith.constant 66 : i32
    %scan3A_146 = arith.addi %scan3A, %scan3A_145 : i32
    %scan3A_147 = arith.constant 1 : i32
    %scan3A_148 = scf.for %scan3A_152 = %scan3A to %scan3A_146 step %scan3A_147 iter_args(%scan3A_153 = %broadcast_in_dim3A_13) -> (vector<16xf32>)  : i32 {
      %mul3A_154 = arith.constant 3 : i32
      %mul3A_155 = arith.muli %mul3A_154, %scan3A_152 : i32
      %add3A_156 = arith.constant 0 : i32
      %add3A_157 = arith.addi %mul3A_155, %add3A_156 : i32
      %dma_wait3A = arith.constant 0 : i32
      %dma_wait3A_158 = arith.constant 0 : i32
      %dma_wait3A_159 = tpu.memref_slice %arg2[%dma_wait3A, %dma_wait3A_158] : memref<16384x256xi32, #tpu.memory_space<hbm>> -> memref<16384x256xi32, #tpu.memory_space<hbm>>
      tpu.wait_indirect_dma semaphore(%arg25 : memref<!tpu.dma_semaphore, #tpu.memory_space<semaphore_mem>>) src(%dma_wait3A_159 : memref<16384x256xi32, #tpu.memory_space<hbm>>) dst(%arg15 : memref<32x256xi32, #tpu.memory_space<vmem>>)
      %dma_wait3A_160 = arith.constant 0 : i32
      %dma_wait3A_161 = arith.constant 0 : i32
      %dma_wait3A_162 = tpu.memref_slice %arg2[%dma_wait3A_160, %dma_wait3A_161] : memref<16384x256xi32, #tpu.memory_space<hbm>> -> memref<16384x256xi32, #tpu.memory_space<hbm>>
      tpu.wait_indirect_dma semaphore(%arg25 : memref<!tpu.dma_semaphore, #tpu.memory_space<semaphore_mem>>) src(%dma_wait3A_162 : memref<16384x256xi32, #tpu.memory_space<hbm>>) dst(%arg16 : memref<32x256xi32, #tpu.memory_space<vmem>>)
      %dma_wait3A_163 = arith.constant 0 : i32
      %dma_wait3A_164 = arith.constant 0 : i32
      %dma_wait3A_165 = tpu.memref_slice %arg2[%dma_wait3A_163, %dma_wait3A_164] : memref<16384x256xi32, #tpu.memory_space<hbm>> -> memref<16384x256xi32, #tpu.memory_space<hbm>>
      tpu.wait_indirect_dma semaphore(%arg25 : memref<!tpu.dma_semaphore, #tpu.memory_space<semaphore_mem>>) src(%dma_wait3A_165 : memref<16384x256xi32, #tpu.memory_space<hbm>>) dst(%arg17 : memref<32x256xi32, #tpu.memory_space<vmem>>)
      %scan3A_166 = arith.constant 0 : i32
      %scan3A_167 = arith.constant 256 : i32
      %scan3A_168 = arith.addi %scan3A_166, %scan3A_167 : i32
      %scan3A_169 = arith.constant 4 : i32
      %scan3A_170:4 = scf.for %scan3A_321 = %scan3A_166 to %scan3A_168 step %scan3A_169 iter_args(%scan3A_322 = %broadcast_in_dim3A_13, %scan3A_323 = %broadcast_in_dim3A_13, %scan3A_324 = %broadcast_in_dim3A_13, %scan3A_325 = %broadcast_in_dim3A_13) -> (vector<16xf32>, vector<16xf32>, vector<16xf32>, vector<16xf32>)  : i32 {
        %add3A_326 = vector.broadcast %scan3A_321 : i32 to vector<16xi32>
        %add3A_327 = arith.addi %iota3A, %add3A_326 : vector<16xi32>
        %and3A = arith.constant 255 : i32
        %and3A_328 = vector.broadcast %and3A : i32 to vector<16xi32>
        %and3A_329 = arith.andi %add3A_327, %and3A_328 : vector<16xi32>
        %gather3A_330 = tpu.vector_load_idx %arg15[%iota3A, %and3A_329] : memref<32x256xi32, #tpu.memory_space<vmem>>[vector<16xi32>, vector<16xi32>], vector<16xi32>,
        %gather3A_331 = tpu.vector_load_idx %arg16[%iota3A, %and3A_329] : memref<32x256xi32, #tpu.memory_space<vmem>>[vector<16xi32>, vector<16xi32>], vector<16xi32>,
        %gather3A_332 = tpu.vector_load_idx %arg17[%iota3A, %and3A_329] : memref<32x256xi32, #tpu.memory_space<vmem>>[vector<16xi32>, vector<16xi32>], vector<16xi32>,
        %gather3A_333 = tpu.vector_load_idx %arg15[%add3A_12, %and3A_329] : memref<32x256xi32, #tpu.memory_space<vmem>>[vector<16xi32>, vector<16xi32>], vector<16xi32>,
        %gather3A_334 = tpu.vector_load_idx %arg16[%add3A_12, %and3A_329] : memref<32x256xi32, #tpu.memory_space<vmem>>[vector<16xi32>, vector<16xi32>], vector<16xi32>,
        %gather3A_335 = tpu.vector_load_idx %arg17[%add3A_12, %and3A_329] : memref<32x256xi32, #tpu.memory_space<vmem>>[vector<16xi32>, vector<16xi32>], vector<16xi32>,
        %bitcast3A = vector.bitcast %gather3A_330 : vector<16xi32> to vector<32xbf16>
        %bitcast3A_336 = vector.bitcast %gather3A_331 : vector<16xi32> to vector<32xbf16>
        %bitcast3A_337 = vector.bitcast %gather3A_332 : vector<16xi32> to vector<32xbf16>
        %sub3A_338 = arith.subf %bitcast3A_336, %bitcast3A_337 : vector<32xbf16>
        %add3A_339 = arith.addf %bitcast3A_336, %bitcast3A_337 : vector<32xbf16>
        %add3A_340 = arith.addf %bitcast3A, %bitcast3A : vector<32xbf16>
        %sub3A_341 = arith.subf %add3A_339, %add3A_340 : vector<32xbf16>
        %mul3A_342 = arith.mulf %sub3A_338, %sub3A_341 : vector<32xbf16>
        %unpack3A = tpu.unpack_subelements %mul3A_342, 0 {pack_format = #tpu.pack_format<interleaved>} : vector<32xbf16> -> vector<16xf32>
        %unpack3A_343 = tpu.unpack_subelements %mul3A_342, 1 {pack_format = #tpu.pack_format<interleaved>} : vector<32xbf16> -> vector<16xf32>
        %bitcast3A_344 = vector.bitcast %gather3A_333 : vector<16xi32> to vector<32xbf16>
        %bitcast3A_345 = vector.bitcast %gather3A_334 : vector<16xi32> to vector<32xbf16>
        %bitcast3A_346 = vector.bitcast %gather3A_335 : vector<16xi32> to vector<32xbf16>
        %sub3A_347 = arith.subf %bitcast3A_345, %bitcast3A_346 : vector<32xbf16>
        %add3A_348 = arith.addf %bitcast3A_345, %bitcast3A_346 : vector<32xbf16>
        %add3A_349 = arith.addf %bitcast3A_344, %bitcast3A_344 : vector<32xbf16>
        %sub3A_350 = arith.subf %add3A_348, %add3A_349 : vector<32xbf16>
        %mul3A_351 = arith.mulf %sub3A_347, %sub3A_350 : vector<32xbf16>
        %unpack3A_352 = tpu.unpack_subelements %mul3A_351, 0 {pack_format = #tpu.pack_format<interleaved>} : vector<32xbf16> -> vector<16xf32>
        %unpack3A_353 = tpu.unpack_subelements %mul3A_351, 1 {pack_format = #tpu.pack_format<interleaved>} : vector<32xbf16> -> vector<16xf32>
        %add3A_354 = arith.addf %scan3A_322, %unpack3A : vector<16xf32>
        %add3A_355 = arith.addf %scan3A_323, %unpack3A_343 : vector<16xf32>
        %add3A_356 = arith.addf %scan3A_324, %unpack3A_352 : vector<16xf32>
        %add3A_357 = arith.addf %scan3A_325, %unpack3A_353 : vector<16xf32>
        %scan3A_358 = arith.constant 1 : i32
        %scan3A_359 = arith.addi %scan3A_321, %scan3A_358 : i32
        %add3A_360 = vector.broadcast %scan3A_359 : i32 to vector<16xi32>
        %add3A_361 = arith.addi %iota3A, %add3A_360 : vector<16xi32>
        %and3A_362 = arith.constant 255 : i32
        %and3A_363 = vector.broadcast %and3A_362 : i32 to vector<16xi32>
        %and3A_364 = arith.andi %add3A_361, %and3A_363 : vector<16xi32>
        %gather3A_365 = tpu.vector_load_idx %arg15[%iota3A, %and3A_364] : memref<32x256xi32, #tpu.memory_space<vmem>>[vector<16xi32>, vector<16xi32>], vector<16xi32>,
        %gather3A_366 = tpu.vector_load_idx %arg16[%iota3A, %and3A_364] : memref<32x256xi32, #tpu.memory_space<vmem>>[vector<16xi32>, vector<16xi32>], vector<16xi32>,
        %gather3A_367 = tpu.vector_load_idx %arg17[%iota3A, %and3A_364] : memref<32x256xi32, #tpu.memory_space<vmem>>[vector<16xi32>, vector<16xi32>], vector<16xi32>,
        %gather3A_368 = tpu.vector_load_idx %arg15[%add3A_12, %and3A_364] : memref<32x256xi32, #tpu.memory_space<vmem>>[vector<16xi32>, vector<16xi32>], vector<16xi32>,
        %gather3A_369 = tpu.vector_load_idx %arg16[%add3A_12, %and3A_364] : memref<32x256xi32, #tpu.memory_space<vmem>>[vector<16xi32>, vector<16xi32>], vector<16xi32>,
        %gather3A_370 = tpu.vector_load_idx %arg17[%add3A_12, %and3A_364] : memref<32x256xi32, #tpu.memory_space<vmem>>[vector<16xi32>, vector<16xi32>], vector<16xi32>,
        %bitcast3A_371 = vector.bitcast %gather3A_365 : vector<16xi32> to vector<32xbf16>
        %bitcast3A_372 = vector.bitcast %gather3A_366 : vector<16xi32> to vector<32xbf16>
        %bitcast3A_373 = vector.bitcast %gather3A_367 : vector<16xi32> to vector<32xbf16>
        %sub3A_374 = arith.subf %bitcast3A_372, %bitcast3A_373 : vector<32xbf16>
        %add3A_375 = arith.addf %bitcast3A_372, %bitcast3A_373 : vector<32xbf16>
        %add3A_376 = arith.addf %bitcast3A_371, %bitcast3A_371 : vector<32xbf16>
        %sub3A_377 = arith.subf %add3A_375, %add3A_376 : vector<32xbf16>
        %mul3A_378 = arith.mulf %sub3A_374, %sub3A_377 : vector<32xbf16>
        %unpack3A_379 = tpu.unpack_subelements %mul3A_378, 0 {pack_format = #tpu.pack_format<interleaved>} : vector<32xbf16> -> vector<16xf32>
        %unpack3A_380 = tpu.unpack_subelements %mul3A_378, 1 {pack_format = #tpu.pack_format<interleaved>} : vector<32xbf16> -> vector<16xf32>
        %bitcast3A_381 = vector.bitcast %gather3A_368 : vector<16xi32> to vector<32xbf16>
        %bitcast3A_382 = vector.bitcast %gather3A_369 : vector<16xi32> to vector<32xbf16>
        %bitcast3A_383 = vector.bitcast %gather3A_370 : vector<16xi32> to vector<32xbf16>
        %sub3A_384 = arith.subf %bitcast3A_382, %bitcast3A_383 : vector<32xbf16>
        %add3A_385 = arith.addf %bitcast3A_382, %bitcast3A_383 : vector<32xbf16>
        %add3A_386 = arith.addf %bitcast3A_381, %bitcast3A_381 : vector<32xbf16>
        %sub3A_387 = arith.subf %add3A_385, %add3A_386 : vector<32xbf16>
        %mul3A_388 = arith.mulf %sub3A_384, %sub3A_387 : vector<32xbf16>
        %unpack3A_389 = tpu.unpack_subelements %mul3A_388, 0 {pack_format = #tpu.pack_format<interleaved>} : vector<32xbf16> -> vector<16xf32>
        %unpack3A_390 = tpu.unpack_subelements %mul3A_388, 1 {pack_format = #tpu.pack_format<interleaved>} : vector<32xbf16> -> vector<16xf32>
        %add3A_391 = arith.addf %add3A_354, %unpack3A_379 : vector<16xf32>
        %add3A_392 = arith.addf %add3A_355, %unpack3A_380 : vector<16xf32>
        %add3A_393 = arith.addf %add3A_356, %unpack3A_389 : vector<16xf32>
        %add3A_394 = arith.addf %add3A_357, %unpack3A_390 : vector<16xf32>
        %scan3A_395 = arith.constant 2 : i32
        %scan3A_396 = arith.addi %scan3A_321, %scan3A_395 : i32
        %add3A_397 = vector.broadcast %scan3A_396 : i32 to vector<16xi32>
        %add3A_398 = arith.addi %iota3A, %add3A_397 : vector<16xi32>
        %and3A_399 = arith.constant 255 : i32
        %and3A_400 = vector.broadcast %and3A_399 : i32 to vector<16xi32>
        %and3A_401 = arith.andi %add3A_398, %and3A_400 : vector<16xi32>
        %gather3A_402 = tpu.vector_load_idx %arg15[%iota3A, %and3A_401] : memref<32x256xi32, #tpu.memory_space<vmem>>[vector<16xi32>, vector<16xi32>], vector<16xi32>,
        %gather3A_403 = tpu.vector_load_idx %arg16[%iota3A, %and3A_401] : memref<32x256xi32, #tpu.memory_space<vmem>>[vector<16xi32>, vector<16xi32>], vector<16xi32>,
        %gather3A_404 = tpu.vector_load_idx %arg17[%iota3A, %and3A_401] : memref<32x256xi32, #tpu.memory_space<vmem>>[vector<16xi32>, vector<16xi32>], vector<16xi32>,
        %gather3A_405 = tpu.vector_load_idx %arg15[%add3A_12, %and3A_401] : memref<32x256xi32, #tpu.memory_space<vmem>>[vector<16xi32>, vector<16xi32>], vector<16xi32>,
        %gather3A_406 = tpu.vector_load_idx %arg16[%add3A_12, %and3A_401] : memref<32x256xi32, #tpu.memory_space<vmem>>[vector<16xi32>, vector<16xi32>], vector<16xi32>,
        %gather3A_407 = tpu.vector_load_idx %arg17[%add3A_12, %and3A_401] : memref<32x256xi32, #tpu.memory_space<vmem>>[vector<16xi32>, vector<16xi32>], vector<16xi32>,
        %bitcast3A_408 = vector.bitcast %gather3A_402 : vector<16xi32> to vector<32xbf16>
        %bitcast3A_409 = vector.bitcast %gather3A_403 : vector<16xi32> to vector<32xbf16>
        %bitcast3A_410 = vector.bitcast %gather3A_404 : vector<16xi32> to vector<32xbf16>
        %sub3A_411 = arith.subf %bitcast3A_409, %bitcast3A_410 : vector<32xbf16>
        %add3A_412 = arith.addf %bitcast3A_409, %bitcast3A_410 : vector<32xbf16>
        %add3A_413 = arith.addf %bitcast3A_408, %bitcast3A_408 : vector<32xbf16>
        %sub3A_414 = arith.subf %add3A_412, %add3A_413 : vector<32xbf16>
        %mul3A_415 = arith.mulf %sub3A_411, %sub3A_414 : vector<32xbf16>
        %unpack3A_416 = tpu.unpack_subelements %mul3A_415, 0 {pack_format = #tpu.pack_format<interleaved>} : vector<32xbf16> -> vector<16xf32>
        %unpack3A_417 = tpu.unpack_subelements %mul3A_415, 1 {pack_format = #tpu.pack_format<interleaved>} : vector<32xbf16> -> vector<16xf32>
        %bitcast3A_418 = vector.bitcast %gather3A_405 : vector<16xi32> to vector<32xbf16>
        %bitcast3A_419 = vector.bitcast %gather3A_406 : vector<16xi32> to vector<32xbf16>
        %bitcast3A_420 = vector.bitcast %gather3A_407 : vector<16xi32> to vector<32xbf16>
        %sub3A_421 = arith.subf %bitcast3A_419, %bitcast3A_420 : vector<32xbf16>
        %add3A_422 = arith.addf %bitcast3A_419, %bitcast3A_420 : vector<32xbf16>
        %add3A_423 = arith.addf %bitcast3A_418, %bitcast3A_418 : vector<32xbf16>
        %sub3A_424 = arith.subf %add3A_422, %add3A_423 : vector<32xbf16>
        %mul3A_425 = arith.mulf %sub3A_421, %sub3A_424 : vector<32xbf16>
        %unpack3A_426 = tpu.unpack_subelements %mul3A_425, 0 {pack_format = #tpu.pack_format<interleaved>} : vector<32xbf16> -> vector<16xf32>
        %unpack3A_427 = tpu.unpack_subelements %mul3A_425, 1 {pack_format = #tpu.pack_format<interleaved>} : vector<32xbf16> -> vector<16xf32>
        %add3A_428 = arith.addf %add3A_391, %unpack3A_416 : vector<16xf32>
        %add3A_429 = arith.addf %add3A_392, %unpack3A_417 : vector<16xf32>
        %add3A_430 = arith.addf %add3A_393, %unpack3A_426 : vector<16xf32>
        %add3A_431 = arith.addf %add3A_394, %unpack3A_427 : vector<16xf32>
        %scan3A_432 = arith.constant 3 : i32
        %scan3A_433 = arith.addi %scan3A_321, %scan3A_432 : i32
        %add3A_434 = vector.broadcast %scan3A_433 : i32 to vector<16xi32>
        %add3A_435 = arith.addi %iota3A, %add3A_434 : vector<16xi32>
        %and3A_436 = arith.constant 255 : i32
        %and3A_437 = vector.broadcast %and3A_436 : i32 to vector<16xi32>
        %and3A_438 = arith.andi %add3A_435, %and3A_437 : vector<16xi32>
        %gather3A_439 = tpu.vector_load_idx %arg15[%iota3A, %and3A_438] : memref<32x256xi32, #tpu.memory_space<vmem>>[vector<16xi32>, vector<16xi32>], vector<16xi32>,
        %gather3A_440 = tpu.vector_load_idx %arg16[%iota3A, %and3A_438] : memref<32x256xi32, #tpu.memory_space<vmem>>[vector<16xi32>, vector<16xi32>], vector<16xi32>,
        %gather3A_441 = tpu.vector_load_idx %arg17[%iota3A, %and3A_438] : memref<32x256xi32, #tpu.memory_space<vmem>>[vector<16xi32>, vector<16xi32>], vector<16xi32>,
        %gather3A_442 = tpu.vector_load_idx %arg15[%add3A_12, %and3A_438] : memref<32x256xi32, #tpu.memory_space<vmem>>[vector<16xi32>, vector<16xi32>], vector<16xi32>,
        %gather3A_443 = tpu.vector_load_idx %arg16[%add3A_12, %and3A_438] : memref<32x256xi32, #tpu.memory_space<vmem>>[vector<16xi32>, vector<16xi32>], vector<16xi32>,
        %gather3A_444 = tpu.vector_load_idx %arg17[%add3A_12, %and3A_438] : memref<32x256xi32, #tpu.memory_space<vmem>>[vector<16xi32>, vector<16xi32>], vector<16xi32>,
        %bitcast3A_445 = vector.bitcast %gather3A_439 : vector<16xi32> to vector<32xbf16>
        %bitcast3A_446 = vector.bitcast %gather3A_440 : vector<16xi32> to vector<32xbf16>
        %bitcast3A_447 = vector.bitcast %gather3A_441 : vector<16xi32> to vector<32xbf16>
        %sub3A_448 = arith.subf %bitcast3A_446, %bitcast3A_447 : vector<32xbf16>
        %add3A_449 = arith.addf %bitcast3A_446, %bitcast3A_447 : vector<32xbf16>
        %add3A_450 = arith.addf %bitcast3A_445, %bitcast3A_445 : vector<32xbf16>
        %sub3A_451 = arith.subf %add3A_449, %add3A_450 : vector<32xbf16>
        %mul3A_452 = arith.mulf %sub3A_448, %sub3A_451 : vector<32xbf16>
        %unpack3A_453 = tpu.unpack_subelements %mul3A_452, 0 {pack_format = #tpu.pack_format<interleaved>} : vector<32xbf16> -> vector<16xf32>
        %unpack3A_454 = tpu.unpack_subelements %mul3A_452, 1 {pack_format = #tpu.pack_format<interleaved>} : vector<32xbf16> -> vector<16xf32>
        %bitcast3A_455 = vector.bitcast %gather3A_442 : vector<16xi32> to vector<32xbf16>
        %bitcast3A_456 = vector.bitcast %gather3A_443 : vector<16xi32> to vector<32xbf16>
        %bitcast3A_457 = vector.bitcast %gather3A_444 : vector<16xi32> to vector<32xbf16>
        %sub3A_458 = arith.subf %bitcast3A_456, %bitcast3A_457 : vector<32xbf16>
        %add3A_459 = arith.addf %bitcast3A_456, %bitcast3A_457 : vector<32xbf16>
        %add3A_460 = arith.addf %bitcast3A_455, %bitcast3A_455 : vector<32xbf16>
        %sub3A_461 = arith.subf %add3A_459, %add3A_460 : vector<32xbf16>
        %mul3A_462 = arith.mulf %sub3A_458, %sub3A_461 : vector<32xbf16>
        %unpack3A_463 = tpu.unpack_subelements %mul3A_462, 0 {pack_format = #tpu.pack_format<interleaved>} : vector<32xbf16> -> vector<16xf32>
        %unpack3A_464 = tpu.unpack_subelements %mul3A_462, 1 {pack_format = #tpu.pack_format<interleaved>} : vector<32xbf16> -> vector<16xf32>
        %add3A_465 = arith.addf %add3A_428, %unpack3A_453 : vector<16xf32>
        %add3A_466 = arith.addf %add3A_429, %unpack3A_454 : vector<16xf32>
        %add3A_467 = arith.addf %add3A_430, %unpack3A_463 : vector<16xf32>
        %add3A_468 = arith.addf %add3A_431, %unpack3A_464 : vector<16xf32>
        scf.yield %add3A_465, %add3A_466, %add3A_467, %add3A_468 : vector<16xf32>, vector<16xf32>, vector<16xf32>, vector<16xf32>
      }
      %scan3A_171 = arith.constant 256 : i32
      %mul3A_172 = arith.constant 32 : i32
      %mul3A_173 = arith.muli %add3A_157, %mul3A_172 : i32
      %add3A_174 = arith.addf %scan3A_170#0, %scan3A_170#1 : vector<16xf32>
      %add3A_175 = arith.constant 1.000000e+00 : f32
      %add3A_176 = vector.broadcast %add3A_175 : f32 to vector<16xf32>
      %add3A_177 = arith.addf %add3A_174, %add3A_176 : vector<16xf32>
      %max3A_178 = arith.constant 0.000000e+00 : f32
      %max3A_179 = vector.broadcast %max3A_178 : f32 to vector<16xf32>
      %max3A_180 = arith.maximumf %add3A_177, %max3A_179 : vector<16xf32>
      %add3A_181 = arith.addf %scan3A_170#2, %scan3A_170#3 : vector<16xf32>
      %add3A_182 = arith.constant 1.000000e+00 : f32
      %add3A_183 = vector.broadcast %add3A_182 : f32 to vector<16xf32>
      %add3A_184 = arith.addf %add3A_181, %add3A_183 : vector<16xf32>
      %max3A_185 = arith.constant 0.000000e+00 : f32
      %max3A_186 = vector.broadcast %max3A_185 : f32 to vector<16xf32>
      %max3A_187 = arith.maximumf %add3A_184, %max3A_186 : vector<16xf32>
      %add3A_188 = vector.broadcast %mul3A_173 : i32 to vector<16xi32>
      %add3A_189 = arith.addi %add3A_188, %iota3A : vector<16xi32>
      %lt3A_190 = vector.broadcast %select_n3A : i32 to vector<16xi32>
      %lt3A_191 = arith.cmpi slt, %add3A_189, %lt3A_190 : vector<16xi32>
      %jit3A_192 = arith.constant 0.000000e+00 : f32
      %broadcast_in_dim3A_193 = vector.broadcast %jit3A_192 : f32 to vector<16xf32>
      %select_n3A_194 = arith.select %lt3A_191, %max3A_180, %broadcast_in_dim3A_193 : vector<16xi1>, vector<16xf32>
      %add3A_195 = vector.broadcast %mul3A_173 : i32 to vector<16xi32>
      %add3A_196 = arith.addi %add3A_195, %add3A_12 : vector<16xi32>
      %lt3A_197 = vector.broadcast %select_n3A : i32 to vector<16xi32>
      %lt3A_198 = arith.cmpi slt, %add3A_196, %lt3A_197 : vector<16xi32>
      %jit3A_199 = arith.constant 0.000000e+00 : f32
      %broadcast_in_dim3A_200 = vector.broadcast %jit3A_199 : f32 to vector<16xf32>
      %select_n3A_201 = arith.select %lt3A_198, %max3A_187, %broadcast_in_dim3A_200 : vector<16xi1>, vector<16xf32>
      %add3A_202 = arith.addf %scan3A_153, %select_n3A_194 : vector<16xf32>
      %add3A_203 = arith.addf %add3A_202, %select_n3A_201 : vector<16xf32>
      %add3A_204 = arith.constant 3 : i32
      %add3A_205 = arith.addi %add3A_157, %add3A_204 : i32
      %lt3A_206 = arith.constant 198 : i32
      %lt3A_207 = arith.cmpi slt, %add3A_205, %lt3A_206 : i32
      %convert_element_type3A = arith.extui %lt3A_207 : i1 to i32
      %cond3A = arith.constant 0 : i32
      %cond3A_208 = arith.cmpi ne, %convert_element_type3A, %cond3A : i32
      scf.if %cond3A_208 {
        %add3A_321 = arith.constant 3 : i32
        %add3A_322 = arith.addi %add3A_157, %add3A_321 : i32
        %mul3A_323 = arith.constant 32 : i32
        %mul3A_324 = arith.muli %add3A_322, %mul3A_323 : i32
        %add3A_325 = vector.broadcast %mul3A_324 : i32 to vector<16xi32>
        %add3A_326 = arith.addi %add3A_325, %iota3A : vector<16xi32>
        %min3A_327 = arith.constant 6255 : i32
        %min3A_328 = vector.broadcast %min3A_327 : i32 to vector<16xi32>
        %min3A_329 = arith.minsi %add3A_326, %min3A_328 : vector<16xi32>
        %add3A_330 = vector.broadcast %mul3A_324 : i32 to vector<16xi32>
        %add3A_331 = arith.addi %add3A_330, %add3A_12 : vector<16xi32>
        %min3A_332 = arith.constant 6255 : i32
        %min3A_333 = vector.broadcast %min3A_332 : i32 to vector<16xi32>
        %min3A_334 = arith.minsi %add3A_331, %min3A_333 : vector<16xi32>
        %broadcast_in_dim3A_335 = arith.constant 0 : i32
        %broadcast_in_dim3A_336 = vector.broadcast %broadcast_in_dim3A_335 : i32 to vector<16xi32>
        %gather3A_337 = tpu.vector_load_idx %arg5[%min3A_329, %broadcast_in_dim3A_336] : memref<6256x3xi32, #tpu.memory_space<vmem>>[vector<16xi32>, vector<16xi32>], vector<16xi32>,
        %swap3A_338 = arith.constant 0 : index
        %swap3A_339 = tpu.vector_load %arg6[%swap3A_338] {strides = array<i32>} : memref<32xi32, #tpu.memory_space<vmem>>, vector<16xi32>,
        tpu.vector_store %arg6[%swap3A_338], %gather3A_337 {strides = array<i32>} : memref<32xi32, #tpu.memory_space<vmem>>, vector<16xi32>,
        %gather3A_340 = tpu.vector_load_idx %arg5[%min3A_334, %broadcast_in_dim3A_336] : memref<6256x3xi32, #tpu.memory_space<vmem>>[vector<16xi32>, vector<16xi32>], vector<16xi32>,
        %swap3A_341 = arith.constant 16 : index
        %swap3A_342 = tpu.vector_load %arg6[%swap3A_341] {strides = array<i32>} : memref<32xi32, #tpu.memory_space<vmem>>, vector<16xi32>,
        tpu.vector_store %arg6[%swap3A_341], %gather3A_340 {strides = array<i32>} : memref<32xi32, #tpu.memory_space<vmem>>, vector<16xi32>,
        %broadcast_in_dim3A_343 = arith.constant 1 : i32
        %broadcast_in_dim3A_344 = vector.broadcast %broadcast_in_dim3A_343 : i32 to vector<16xi32>
        %gather3A_345 = tpu.vector_load_idx %arg5[%min3A_329, %broadcast_in_dim3A_344] : memref<6256x3xi32, #tpu.memory_space<vmem>>[vector<16xi32>, vector<16xi32>], vector<16xi32>,
        %swap3A_346 = arith.constant 0 : index
        %swap3A_347 = tpu.vector_load %arg7[%swap3A_346] {strides = array<i32>} : memref<32xi32, #tpu.memory_space<vmem>>, vector<16xi32>,
        tpu.vector_store %arg7[%swap3A_346], %gather3A_345 {strides = array<i32>} : memref<32xi32, #tpu.memory_space<vmem>>, vector<16xi32>,
        %gather3A_348 = tpu.vector_load_idx %arg5[%min3A_334, %broadcast_in_dim3A_344] : memref<6256x3xi32, #tpu.memory_space<vmem>>[vector<16xi32>, vector<16xi32>], vector<16xi32>,
        %swap3A_349 = arith.constant 16 : index
        %swap3A_350 = tpu.vector_load %arg7[%swap3A_349] {strides = array<i32>} : memref<32xi32, #tpu.memory_space<vmem>>, vector<16xi32>,
        tpu.vector_store %arg7[%swap3A_349], %gather3A_348 {strides = array<i32>} : memref<32xi32, #tpu.memory_space<vmem>>, vector<16xi32>,
        %broadcast_in_dim3A_351 = arith.constant 2 : i32
        %broadcast_in_dim3A_352 = vector.broadcast %broadcast_in_dim3A_351 : i32 to vector<16xi32>
        %gather3A_353 = tpu.vector_load_idx %arg5[%min3A_329, %broadcast_in_dim3A_352] : memref<6256x3xi32, #tpu.memory_space<vmem>>[vector<16xi32>, vector<16xi32>], vector<16xi32>,
        %swap3A_354 = arith.constant 0 : index
        %swap3A_355 = tpu.vector_load %arg8[%swap3A_354] {strides = array<i32>} : memref<32xi32, #tpu.memory_space<vmem>>, vector<16xi32>,
        tpu.vector_store %arg8[%swap3A_354], %gather3A_353 {strides = array<i32>} : memref<32xi32, #tpu.memory_space<vmem>>, vector<16xi32>,
        %gather3A_356 = tpu.vector_load_idx %arg5[%min3A_334, %broadcast_in_dim3A_352] : memref<6256x3xi32, #tpu.memory_space<vmem>>[vector<16xi32>, vector<16xi32>], vector<16xi32>,
        %swap3A_357 = arith.constant 16 : index
        %swap3A_358 = tpu.vector_load %arg8[%swap3A_357] {strides = array<i32>} : memref<32xi32, #tpu.memory_space<vmem>>, vector<16xi32>,
        tpu.vector_store %arg8[%swap3A_357], %gather3A_356 {strides = array<i32>} : memref<32xi32, #tpu.memory_space<vmem>>, vector<16xi32>,
        %dma_start3A_359 = arith.constant 0 : i32
        %dma_start3A_360 = arith.constant 0 : i32
        %dma_start3A_361 = tpu.memref_slice %arg2[%dma_start3A_359, %dma_start3A_360] : memref<16384x256xi32, #tpu.memory_space<hbm>> -> memref<16384x256xi32, #tpu.memory_space<hbm>>
        tpu.enqueue_indirect_dma source(%dma_start3A_361 : memref<16384x256xi32, #tpu.memory_space<hbm>>) target(%arg15 : memref<32x256xi32, #tpu.memory_space<vmem>>) offsets(%arg6 : memref<32xi32, #tpu.memory_space<vmem>>) semaphore(%arg25 : memref<!tpu.dma_semaphore, #tpu.memory_space<semaphore_mem>>)
        %dma_start3A_362 = arith.constant 0 : i32
        %dma_start3A_363 = arith.constant 0 : i32
        %dma_start3A_364 = tpu.memref_slice %arg2[%dma_start3A_362, %dma_start3A_363] : memref<16384x256xi32, #tpu.memory_space<hbm>> -> memref<16384x256xi32, #tpu.memory_space<hbm>>
        tpu.enqueue_indirect_dma source(%dma_start3A_364 : memref<16384x256xi32, #tpu.memory_space<hbm>>) target(%arg16 : memref<32x256xi32, #tpu.memory_space<vmem>>) offsets(%arg7 : memref<32xi32, #tpu.memory_space<vmem>>) semaphore(%arg25 : memref<!tpu.dma_semaphore, #tpu.memory_space<semaphore_mem>>)
        %dma_start3A_365 = arith.constant 0 : i32
        %dma_start3A_366 = arith.constant 0 : i32
        %dma_start3A_367 = tpu.memref_slice %arg2[%dma_start3A_365, %dma_start3A_366] : memref<16384x256xi32, #tpu.memory_space<hbm>> -> memref<16384x256xi32, #tpu.memory_space<hbm>>
        tpu.enqueue_indirect_dma source(%dma_start3A_367 : memref<16384x256xi32, #tpu.memory_space<hbm>>) target(%arg17 : memref<32x256xi32, #tpu.memory_space<vmem>>) offsets(%arg8 : memref<32xi32, #tpu.memory_space<vmem>>) semaphore(%arg25 : memref<!tpu.dma_semaphore, #tpu.memory_space<semaphore_mem>>)
      } else {
      }
      %add3A_209 = arith.constant 1 : i32
      %add3A_210 = arith.addi %mul3A_155, %add3A_209 : i32
      %dma_wait3A_211 = arith.constant 0 : i32
      %dma_wait3A_212 = arith.constant 0 : i32
      %dma_wait3A_213 = tpu.memref_slice %arg2[%dma_wait3A_211, %dma_wait3A_212] : memref<16384x256xi32, #tpu.memory_space<hbm>> -> memref<16384x256xi32, #tpu.memory_space<hbm>>
      tpu.wait_indirect_dma semaphore(%arg26 : memref<!tpu.dma_semaphore, #tpu.memory_space<semaphore_mem>>) src(%dma_wait3A_213 : memref<16384x256xi32, #tpu.memory_space<hbm>>) dst(%arg18 : memref<32x256xi32, #tpu.memory_space<vmem>>)
      %dma_wait3A_214 = arith.constant 0 : i32
      %dma_wait3A_215 = arith.constant 0 : i32
      %dma_wait3A_216 = tpu.memref_slice %arg2[%dma_wait3A_214, %dma_wait3A_215] : memref<16384x256xi32, #tpu.memory_space<hbm>> -> memref<16384x256xi32, #tpu.memory_space<hbm>>
      tpu.wait_indirect_dma semaphore(%arg26 : memref<!tpu.dma_semaphore, #tpu.memory_space<semaphore_mem>>) src(%dma_wait3A_216 : memref<16384x256xi32, #tpu.memory_space<hbm>>) dst(%arg19 : memref<32x256xi32, #tpu.memory_space<vmem>>)
      %dma_wait3A_217 = arith.constant 0 : i32
      %dma_wait3A_218 = arith.constant 0 : i32
      %dma_wait3A_219 = tpu.memref_slice %arg2[%dma_wait3A_217, %dma_wait3A_218] : memref<16384x256xi32, #tpu.memory_space<hbm>> -> memref<16384x256xi32, #tpu.memory_space<hbm>>
      tpu.wait_indirect_dma semaphore(%arg26 : memref<!tpu.dma_semaphore, #tpu.memory_space<semaphore_mem>>) src(%dma_wait3A_219 : memref<16384x256xi32, #tpu.memory_space<hbm>>) dst(%arg20 : memref<32x256xi32, #tpu.memory_space<vmem>>)
      %scan3A_220 = arith.constant 0 : i32
      %scan3A_221 = arith.constant 256 : i32
      %scan3A_222 = arith.addi %scan3A_220, %scan3A_221 : i32
      %scan3A_223 = arith.constant 4 : i32
      %scan3A_224:4 = scf.for %scan3A_321 = %scan3A_220 to %scan3A_222 step %scan3A_223 iter_args(%scan3A_322 = %broadcast_in_dim3A_13, %scan3A_323 = %broadcast_in_dim3A_13, %scan3A_324 = %broadcast_in_dim3A_13, %scan3A_325 = %broadcast_in_dim3A_13) -> (vector<16xf32>, vector<16xf32>, vector<16xf32>, vector<16xf32>)  : i32 {
        %add3A_326 = vector.broadcast %scan3A_321 : i32 to vector<16xi32>
        %add3A_327 = arith.addi %iota3A, %add3A_326 : vector<16xi32>
        %and3A = arith.constant 255 : i32
        %and3A_328 = vector.broadcast %and3A : i32 to vector<16xi32>
        %and3A_329 = arith.andi %add3A_327, %and3A_328 : vector<16xi32>
        %gather3A_330 = tpu.vector_load_idx %arg18[%iota3A, %and3A_329] : memref<32x256xi32, #tpu.memory_space<vmem>>[vector<16xi32>, vector<16xi32>], vector<16xi32>,
        %gather3A_331 = tpu.vector_load_idx %arg19[%iota3A, %and3A_329] : memref<32x256xi32, #tpu.memory_space<vmem>>[vector<16xi32>, vector<16xi32>], vector<16xi32>,
        %gather3A_332 = tpu.vector_load_idx %arg20[%iota3A, %and3A_329] : memref<32x256xi32, #tpu.memory_space<vmem>>[vector<16xi32>, vector<16xi32>], vector<16xi32>,
        %gather3A_333 = tpu.vector_load_idx %arg18[%add3A_12, %and3A_329] : memref<32x256xi32, #tpu.memory_space<vmem>>[vector<16xi32>, vector<16xi32>], vector<16xi32>,
        %gather3A_334 = tpu.vector_load_idx %arg19[%add3A_12, %and3A_329] : memref<32x256xi32, #tpu.memory_space<vmem>>[vector<16xi32>, vector<16xi32>], vector<16xi32>,
        %gather3A_335 = tpu.vector_load_idx %arg20[%add3A_12, %and3A_329] : memref<32x256xi32, #tpu.memory_space<vmem>>[vector<16xi32>, vector<16xi32>], vector<16xi32>,
        %bitcast3A = vector.bitcast %gather3A_330 : vector<16xi32> to vector<32xbf16>
        %bitcast3A_336 = vector.bitcast %gather3A_331 : vector<16xi32> to vector<32xbf16>
        %bitcast3A_337 = vector.bitcast %gather3A_332 : vector<16xi32> to vector<32xbf16>
        %sub3A_338 = arith.subf %bitcast3A_336, %bitcast3A_337 : vector<32xbf16>
        %add3A_339 = arith.addf %bitcast3A_336, %bitcast3A_337 : vector<32xbf16>
        %add3A_340 = arith.addf %bitcast3A, %bitcast3A : vector<32xbf16>
        %sub3A_341 = arith.subf %add3A_339, %add3A_340 : vector<32xbf16>
        %mul3A_342 = arith.mulf %sub3A_338, %sub3A_341 : vector<32xbf16>
        %unpack3A = tpu.unpack_subelements %mul3A_342, 0 {pack_format = #tpu.pack_format<interleaved>} : vector<32xbf16> -> vector<16xf32>
        %unpack3A_343 = tpu.unpack_subelements %mul3A_342, 1 {pack_format = #tpu.pack_format<interleaved>} : vector<32xbf16> -> vector<16xf32>
        %bitcast3A_344 = vector.bitcast %gather3A_333 : vector<16xi32> to vector<32xbf16>
        %bitcast3A_345 = vector.bitcast %gather3A_334 : vector<16xi32> to vector<32xbf16>
        %bitcast3A_346 = vector.bitcast %gather3A_335 : vector<16xi32> to vector<32xbf16>
        %sub3A_347 = arith.subf %bitcast3A_345, %bitcast3A_346 : vector<32xbf16>
        %add3A_348 = arith.addf %bitcast3A_345, %bitcast3A_346 : vector<32xbf16>
        %add3A_349 = arith.addf %bitcast3A_344, %bitcast3A_344 : vector<32xbf16>
        %sub3A_350 = arith.subf %add3A_348, %add3A_349 : vector<32xbf16>
        %mul3A_351 = arith.mulf %sub3A_347, %sub3A_350 : vector<32xbf16>
        %unpack3A_352 = tpu.unpack_subelements %mul3A_351, 0 {pack_format = #tpu.pack_format<interleaved>} : vector<32xbf16> -> vector<16xf32>
        %unpack3A_353 = tpu.unpack_subelements %mul3A_351, 1 {pack_format = #tpu.pack_format<interleaved>} : vector<32xbf16> -> vector<16xf32>
        %add3A_354 = arith.addf %scan3A_322, %unpack3A : vector<16xf32>
        %add3A_355 = arith.addf %scan3A_323, %unpack3A_343 : vector<16xf32>
        %add3A_356 = arith.addf %scan3A_324, %unpack3A_352 : vector<16xf32>
        %add3A_357 = arith.addf %scan3A_325, %unpack3A_353 : vector<16xf32>
        %scan3A_358 = arith.constant 1 : i32
        %scan3A_359 = arith.addi %scan3A_321, %scan3A_358 : i32
        %add3A_360 = vector.broadcast %scan3A_359 : i32 to vector<16xi32>
        %add3A_361 = arith.addi %iota3A, %add3A_360 : vector<16xi32>
        %and3A_362 = arith.constant 255 : i32
        %and3A_363 = vector.broadcast %and3A_362 : i32 to vector<16xi32>
        %and3A_364 = arith.andi %add3A_361, %and3A_363 : vector<16xi32>
        %gather3A_365 = tpu.vector_load_idx %arg18[%iota3A, %and3A_364] : memref<32x256xi32, #tpu.memory_space<vmem>>[vector<16xi32>, vector<16xi32>], vector<16xi32>,
        %gather3A_366 = tpu.vector_load_idx %arg19[%iota3A, %and3A_364] : memref<32x256xi32, #tpu.memory_space<vmem>>[vector<16xi32>, vector<16xi32>], vector<16xi32>,
        %gather3A_367 = tpu.vector_load_idx %arg20[%iota3A, %and3A_364] : memref<32x256xi32, #tpu.memory_space<vmem>>[vector<16xi32>, vector<16xi32>], vector<16xi32>,
        %gather3A_368 = tpu.vector_load_idx %arg18[%add3A_12, %and3A_364] : memref<32x256xi32, #tpu.memory_space<vmem>>[vector<16xi32>, vector<16xi32>], vector<16xi32>,
        %gather3A_369 = tpu.vector_load_idx %arg19[%add3A_12, %and3A_364] : memref<32x256xi32, #tpu.memory_space<vmem>>[vector<16xi32>, vector<16xi32>], vector<16xi32>,
        %gather3A_370 = tpu.vector_load_idx %arg20[%add3A_12, %and3A_364] : memref<32x256xi32, #tpu.memory_space<vmem>>[vector<16xi32>, vector<16xi32>], vector<16xi32>,
        %bitcast3A_371 = vector.bitcast %gather3A_365 : vector<16xi32> to vector<32xbf16>
        %bitcast3A_372 = vector.bitcast %gather3A_366 : vector<16xi32> to vector<32xbf16>
        %bitcast3A_373 = vector.bitcast %gather3A_367 : vector<16xi32> to vector<32xbf16>
        %sub3A_374 = arith.subf %bitcast3A_372, %bitcast3A_373 : vector<32xbf16>
        %add3A_375 = arith.addf %bitcast3A_372, %bitcast3A_373 : vector<32xbf16>
        %add3A_376 = arith.addf %bitcast3A_371, %bitcast3A_371 : vector<32xbf16>
        %sub3A_377 = arith.subf %add3A_375, %add3A_376 : vector<32xbf16>
        %mul3A_378 = arith.mulf %sub3A_374, %sub3A_377 : vector<32xbf16>
        %unpack3A_379 = tpu.unpack_subelements %mul3A_378, 0 {pack_format = #tpu.pack_format<interleaved>} : vector<32xbf16> -> vector<16xf32>
        %unpack3A_380 = tpu.unpack_subelements %mul3A_378, 1 {pack_format = #tpu.pack_format<interleaved>} : vector<32xbf16> -> vector<16xf32>
        %bitcast3A_381 = vector.bitcast %gather3A_368 : vector<16xi32> to vector<32xbf16>
        %bitcast3A_382 = vector.bitcast %gather3A_369 : vector<16xi32> to vector<32xbf16>
        %bitcast3A_383 = vector.bitcast %gather3A_370 : vector<16xi32> to vector<32xbf16>
        %sub3A_384 = arith.subf %bitcast3A_382, %bitcast3A_383 : vector<32xbf16>
        %add3A_385 = arith.addf %bitcast3A_382, %bitcast3A_383 : vector<32xbf16>
        %add3A_386 = arith.addf %bitcast3A_381, %bitcast3A_381 : vector<32xbf16>
        %sub3A_387 = arith.subf %add3A_385, %add3A_386 : vector<32xbf16>
        %mul3A_388 = arith.mulf %sub3A_384, %sub3A_387 : vector<32xbf16>
        %unpack3A_389 = tpu.unpack_subelements %mul3A_388, 0 {pack_format = #tpu.pack_format<interleaved>} : vector<32xbf16> -> vector<16xf32>
        %unpack3A_390 = tpu.unpack_subelements %mul3A_388, 1 {pack_format = #tpu.pack_format<interleaved>} : vector<32xbf16> -> vector<16xf32>
        %add3A_391 = arith.addf %add3A_354, %unpack3A_379 : vector<16xf32>
        %add3A_392 = arith.addf %add3A_355, %unpack3A_380 : vector<16xf32>
        %add3A_393 = arith.addf %add3A_356, %unpack3A_389 : vector<16xf32>
        %add3A_394 = arith.addf %add3A_357, %unpack3A_390 : vector<16xf32>
        %scan3A_395 = arith.constant 2 : i32
        %scan3A_396 = arith.addi %scan3A_321, %scan3A_395 : i32
        %add3A_397 = vector.broadcast %scan3A_396 : i32 to vector<16xi32>
        %add3A_398 = arith.addi %iota3A, %add3A_397 : vector<16xi32>
        %and3A_399 = arith.constant 255 : i32
        %and3A_400 = vector.broadcast %and3A_399 : i32 to vector<16xi32>
        %and3A_401 = arith.andi %add3A_398, %and3A_400 : vector<16xi32>
        %gather3A_402 = tpu.vector_load_idx %arg18[%iota3A, %and3A_401] : memref<32x256xi32, #tpu.memory_space<vmem>>[vector<16xi32>, vector<16xi32>], vector<16xi32>,
        %gather3A_403 = tpu.vector_load_idx %arg19[%iota3A, %and3A_401] : memref<32x256xi32, #tpu.memory_space<vmem>>[vector<16xi32>, vector<16xi32>], vector<16xi32>,
        %gather3A_404 = tpu.vector_load_idx %arg20[%iota3A, %and3A_401] : memref<32x256xi32, #tpu.memory_space<vmem>>[vector<16xi32>, vector<16xi32>], vector<16xi32>,
        %gather3A_405 = tpu.vector_load_idx %arg18[%add3A_12, %and3A_401] : memref<32x256xi32, #tpu.memory_space<vmem>>[vector<16xi32>, vector<16xi32>], vector<16xi32>,
        %gather3A_406 = tpu.vector_load_idx %arg19[%add3A_12, %and3A_401] : memref<32x256xi32, #tpu.memory_space<vmem>>[vector<16xi32>, vector<16xi32>], vector<16xi32>,
        %gather3A_407 = tpu.vector_load_idx %arg20[%add3A_12, %and3A_401] : memref<32x256xi32, #tpu.memory_space<vmem>>[vector<16xi32>, vector<16xi32>], vector<16xi32>,
        %bitcast3A_408 = vector.bitcast %gather3A_402 : vector<16xi32> to vector<32xbf16>
        %bitcast3A_409 = vector.bitcast %gather3A_403 : vector<16xi32> to vector<32xbf16>
        %bitcast3A_410 = vector.bitcast %gather3A_404 : vector<16xi32> to vector<32xbf16>
        %sub3A_411 = arith.subf %bitcast3A_409, %bitcast3A_410 : vector<32xbf16>
        %add3A_412 = arith.addf %bitcast3A_409, %bitcast3A_410 : vector<32xbf16>
        %add3A_413 = arith.addf %bitcast3A_408, %bitcast3A_408 : vector<32xbf16>
        %sub3A_414 = arith.subf %add3A_412, %add3A_413 : vector<32xbf16>
        %mul3A_415 = arith.mulf %sub3A_411, %sub3A_414 : vector<32xbf16>
        %unpack3A_416 = tpu.unpack_subelements %mul3A_415, 0 {pack_format = #tpu.pack_format<interleaved>} : vector<32xbf16> -> vector<16xf32>
        %unpack3A_417 = tpu.unpack_subelements %mul3A_415, 1 {pack_format = #tpu.pack_format<interleaved>} : vector<32xbf16> -> vector<16xf32>
        %bitcast3A_418 = vector.bitcast %gather3A_405 : vector<16xi32> to vector<32xbf16>
        %bitcast3A_419 = vector.bitcast %gather3A_406 : vector<16xi32> to vector<32xbf16>
        %bitcast3A_420 = vector.bitcast %gather3A_407 : vector<16xi32> to vector<32xbf16>
        %sub3A_421 = arith.subf %bitcast3A_419, %bitcast3A_420 : vector<32xbf16>
        %add3A_422 = arith.addf %bitcast3A_419, %bitcast3A_420 : vector<32xbf16>
        %add3A_423 = arith.addf %bitcast3A_418, %bitcast3A_418 : vector<32xbf16>
        %sub3A_424 = arith.subf %add3A_422, %add3A_423 : vector<32xbf16>
        %mul3A_425 = arith.mulf %sub3A_421, %sub3A_424 : vector<32xbf16>
        %unpack3A_426 = tpu.unpack_subelements %mul3A_425, 0 {pack_format = #tpu.pack_format<interleaved>} : vector<32xbf16> -> vector<16xf32>
        %unpack3A_427 = tpu.unpack_subelements %mul3A_425, 1 {pack_format = #tpu.pack_format<interleaved>} : vector<32xbf16> -> vector<16xf32>
        %add3A_428 = arith.addf %add3A_391, %unpack3A_416 : vector<16xf32>
        %add3A_429 = arith.addf %add3A_392, %unpack3A_417 : vector<16xf32>
        %add3A_430 = arith.addf %add3A_393, %unpack3A_426 : vector<16xf32>
        %add3A_431 = arith.addf %add3A_394, %unpack3A_427 : vector<16xf32>
        %scan3A_432 = arith.constant 3 : i32
        %scan3A_433 = arith.addi %scan3A_321, %scan3A_432 : i32
        %add3A_434 = vector.broadcast %scan3A_433 : i32 to vector<16xi32>
        %add3A_435 = arith.addi %iota3A, %add3A_434 : vector<16xi32>
        %and3A_436 = arith.constant 255 : i32
        %and3A_437 = vector.broadcast %and3A_436 : i32 to vector<16xi32>
        %and3A_438 = arith.andi %add3A_435, %and3A_437 : vector<16xi32>
        %gather3A_439 = tpu.vector_load_idx %arg18[%iota3A, %and3A_438] : memref<32x256xi32, #tpu.memory_space<vmem>>[vector<16xi32>, vector<16xi32>], vector<16xi32>,
        %gather3A_440 = tpu.vector_load_idx %arg19[%iota3A, %and3A_438] : memref<32x256xi32, #tpu.memory_space<vmem>>[vector<16xi32>, vector<16xi32>], vector<16xi32>,
        %gather3A_441 = tpu.vector_load_idx %arg20[%iota3A, %and3A_438] : memref<32x256xi32, #tpu.memory_space<vmem>>[vector<16xi32>, vector<16xi32>], vector<16xi32>,
        %gather3A_442 = tpu.vector_load_idx %arg18[%add3A_12, %and3A_438] : memref<32x256xi32, #tpu.memory_space<vmem>>[vector<16xi32>, vector<16xi32>], vector<16xi32>,
        %gather3A_443 = tpu.vector_load_idx %arg19[%add3A_12, %and3A_438] : memref<32x256xi32, #tpu.memory_space<vmem>>[vector<16xi32>, vector<16xi32>], vector<16xi32>,
        %gather3A_444 = tpu.vector_load_idx %arg20[%add3A_12, %and3A_438] : memref<32x256xi32, #tpu.memory_space<vmem>>[vector<16xi32>, vector<16xi32>], vector<16xi32>,
        %bitcast3A_445 = vector.bitcast %gather3A_439 : vector<16xi32> to vector<32xbf16>
        %bitcast3A_446 = vector.bitcast %gather3A_440 : vector<16xi32> to vector<32xbf16>
        %bitcast3A_447 = vector.bitcast %gather3A_441 : vector<16xi32> to vector<32xbf16>
        %sub3A_448 = arith.subf %bitcast3A_446, %bitcast3A_447 : vector<32xbf16>
        %add3A_449 = arith.addf %bitcast3A_446, %bitcast3A_447 : vector<32xbf16>
        %add3A_450 = arith.addf %bitcast3A_445, %bitcast3A_445 : vector<32xbf16>
        %sub3A_451 = arith.subf %add3A_449, %add3A_450 : vector<32xbf16>
        %mul3A_452 = arith.mulf %sub3A_448, %sub3A_451 : vector<32xbf16>
        %unpack3A_453 = tpu.unpack_subelements %mul3A_452, 0 {pack_format = #tpu.pack_format<interleaved>} : vector<32xbf16> -> vector<16xf32>
        %unpack3A_454 = tpu.unpack_subelements %mul3A_452, 1 {pack_format = #tpu.pack_format<interleaved>} : vector<32xbf16> -> vector<16xf32>
        %bitcast3A_455 = vector.bitcast %gather3A_442 : vector<16xi32> to vector<32xbf16>
        %bitcast3A_456 = vector.bitcast %gather3A_443 : vector<16xi32> to vector<32xbf16>
        %bitcast3A_457 = vector.bitcast %gather3A_444 : vector<16xi32> to vector<32xbf16>
        %sub3A_458 = arith.subf %bitcast3A_456, %bitcast3A_457 : vector<32xbf16>
        %add3A_459 = arith.addf %bitcast3A_456, %bitcast3A_457 : vector<32xbf16>
        %add3A_460 = arith.addf %bitcast3A_455, %bitcast3A_455 : vector<32xbf16>
        %sub3A_461 = arith.subf %add3A_459, %add3A_460 : vector<32xbf16>
        %mul3A_462 = arith.mulf %sub3A_458, %sub3A_461 : vector<32xbf16>
        %unpack3A_463 = tpu.unpack_subelements %mul3A_462, 0 {pack_format = #tpu.pack_format<interleaved>} : vector<32xbf16> -> vector<16xf32>
        %unpack3A_464 = tpu.unpack_subelements %mul3A_462, 1 {pack_format = #tpu.pack_format<interleaved>} : vector<32xbf16> -> vector<16xf32>
        %add3A_465 = arith.addf %add3A_428, %unpack3A_453 : vector<16xf32>
        %add3A_466 = arith.addf %add3A_429, %unpack3A_454 : vector<16xf32>
        %add3A_467 = arith.addf %add3A_430, %unpack3A_463 : vector<16xf32>
        %add3A_468 = arith.addf %add3A_431, %unpack3A_464 : vector<16xf32>
        scf.yield %add3A_465, %add3A_466, %add3A_467, %add3A_468 : vector<16xf32>, vector<16xf32>, vector<16xf32>, vector<16xf32>
      }
      %scan3A_225 = arith.constant 256 : i32
      %mul3A_226 = arith.constant 32 : i32
      %mul3A_227 = arith.muli %add3A_210, %mul3A_226 : i32
      %add3A_228 = arith.addf %scan3A_224#0, %scan3A_224#1 : vector<16xf32>
      %add3A_229 = arith.constant 1.000000e+00 : f32
      %add3A_230 = vector.broadcast %add3A_229 : f32 to vector<16xf32>
      %add3A_231 = arith.addf %add3A_228, %add3A_230 : vector<16xf32>
      %max3A_232 = arith.constant 0.000000e+00 : f32
      %max3A_233 = vector.broadcast %max3A_232 : f32 to vector<16xf32>
      %max3A_234 = arith.maximumf %add3A_231, %max3A_233 : vector<16xf32>
      %add3A_235 = arith.addf %scan3A_224#2, %scan3A_224#3 : vector<16xf32>
      %add3A_236 = arith.constant 1.000000e+00 : f32
      %add3A_237 = vector.broadcast %add3A_236 : f32 to vector<16xf32>
      %add3A_238 = arith.addf %add3A_235, %add3A_237 : vector<16xf32>
      %max3A_239 = arith.constant 0.000000e+00 : f32
      %max3A_240 = vector.broadcast %max3A_239 : f32 to vector<16xf32>
      %max3A_241 = arith.maximumf %add3A_238, %max3A_240 : vector<16xf32>
      %add3A_242 = vector.broadcast %mul3A_227 : i32 to vector<16xi32>
      %add3A_243 = arith.addi %add3A_242, %iota3A : vector<16xi32>
      %lt3A_244 = vector.broadcast %select_n3A : i32 to vector<16xi32>
      %lt3A_245 = arith.cmpi slt, %add3A_243, %lt3A_244 : vector<16xi32>
      %jit3A_246 = arith.constant 0.000000e+00 : f32
      %broadcast_in_dim3A_247 = vector.broadcast %jit3A_246 : f32 to vector<16xf32>
      %select_n3A_248 = arith.select %lt3A_245, %max3A_234, %broadcast_in_dim3A_247 : vector<16xi1>, vector<16xf32>
      %add3A_249 = vector.broadcast %mul3A_227 : i32 to vector<16xi32>
      %add3A_250 = arith.addi %add3A_249, %add3A_12 : vector<16xi32>
      %lt3A_251 = vector.broadcast %select_n3A : i32 to vector<16xi32>
      %lt3A_252 = arith.cmpi slt, %add3A_250, %lt3A_251 : vector<16xi32>
      %jit3A_253 = arith.constant 0.000000e+00 : f32
      %broadcast_in_dim3A_254 = vector.broadcast %jit3A_253 : f32 to vector<16xf32>
      %select_n3A_255 = arith.select %lt3A_252, %max3A_241, %broadcast_in_dim3A_254 : vector<16xi1>, vector<16xf32>
      %add3A_256 = arith.addf %add3A_203, %select_n3A_248 : vector<16xf32>
      %add3A_257 = arith.addf %add3A_256, %select_n3A_255 : vector<16xf32>
      %add3A_258 = arith.constant 3 : i32
      %add3A_259 = arith.addi %add3A_210, %add3A_258 : i32
      %lt3A_260 = arith.constant 198 : i32
      %lt3A_261 = arith.cmpi slt, %add3A_259, %lt3A_260 : i32
      %convert_element_type3A_262 = arith.extui %lt3A_261 : i1 to i32
      %cond3A_263 = arith.constant 0 : i32
      %cond3A_264 = arith.cmpi ne, %convert_element_type3A_262, %cond3A_263 : i32
      scf.if %cond3A_264 {
        %add3A_321 = arith.constant 3 : i32
        %add3A_322 = arith.addi %add3A_210, %add3A_321 : i32
        %mul3A_323 = arith.constant 32 : i32
        %mul3A_324 = arith.muli %add3A_322, %mul3A_323 : i32
        %add3A_325 = vector.broadcast %mul3A_324 : i32 to vector<16xi32>
        %add3A_326 = arith.addi %add3A_325, %iota3A : vector<16xi32>
        %min3A_327 = arith.constant 6255 : i32
        %min3A_328 = vector.broadcast %min3A_327 : i32 to vector<16xi32>
        %min3A_329 = arith.minsi %add3A_326, %min3A_328 : vector<16xi32>
        %add3A_330 = vector.broadcast %mul3A_324 : i32 to vector<16xi32>
        %add3A_331 = arith.addi %add3A_330, %add3A_12 : vector<16xi32>
        %min3A_332 = arith.constant 6255 : i32
        %min3A_333 = vector.broadcast %min3A_332 : i32 to vector<16xi32>
        %min3A_334 = arith.minsi %add3A_331, %min3A_333 : vector<16xi32>
        %broadcast_in_dim3A_335 = arith.constant 0 : i32
        %broadcast_in_dim3A_336 = vector.broadcast %broadcast_in_dim3A_335 : i32 to vector<16xi32>
        %gather3A_337 = tpu.vector_load_idx %arg5[%min3A_329, %broadcast_in_dim3A_336] : memref<6256x3xi32, #tpu.memory_space<vmem>>[vector<16xi32>, vector<16xi32>], vector<16xi32>,
        %swap3A_338 = arith.constant 0 : index
        %swap3A_339 = tpu.vector_load %arg9[%swap3A_338] {strides = array<i32>} : memref<32xi32, #tpu.memory_space<vmem>>, vector<16xi32>,
        tpu.vector_store %arg9[%swap3A_338], %gather3A_337 {strides = array<i32>} : memref<32xi32, #tpu.memory_space<vmem>>, vector<16xi32>,
        %gather3A_340 = tpu.vector_load_idx %arg5[%min3A_334, %broadcast_in_dim3A_336] : memref<6256x3xi32, #tpu.memory_space<vmem>>[vector<16xi32>, vector<16xi32>], vector<16xi32>,
        %swap3A_341 = arith.constant 16 : index
        %swap3A_342 = tpu.vector_load %arg9[%swap3A_341] {strides = array<i32>} : memref<32xi32, #tpu.memory_space<vmem>>, vector<16xi32>,
        tpu.vector_store %arg9[%swap3A_341], %gather3A_340 {strides = array<i32>} : memref<32xi32, #tpu.memory_space<vmem>>, vector<16xi32>,
        %broadcast_in_dim3A_343 = arith.constant 1 : i32
        %broadcast_in_dim3A_344 = vector.broadcast %broadcast_in_dim3A_343 : i32 to vector<16xi32>
        %gather3A_345 = tpu.vector_load_idx %arg5[%min3A_329, %broadcast_in_dim3A_344] : memref<6256x3xi32, #tpu.memory_space<vmem>>[vector<16xi32>, vector<16xi32>], vector<16xi32>,
        %swap3A_346 = arith.constant 0 : index
        %swap3A_347 = tpu.vector_load %arg10[%swap3A_346] {strides = array<i32>} : memref<32xi32, #tpu.memory_space<vmem>>, vector<16xi32>,
        tpu.vector_store %arg10[%swap3A_346], %gather3A_345 {strides = array<i32>} : memref<32xi32, #tpu.memory_space<vmem>>, vector<16xi32>,
        %gather3A_348 = tpu.vector_load_idx %arg5[%min3A_334, %broadcast_in_dim3A_344] : memref<6256x3xi32, #tpu.memory_space<vmem>>[vector<16xi32>, vector<16xi32>], vector<16xi32>,
        %swap3A_349 = arith.constant 16 : index
        %swap3A_350 = tpu.vector_load %arg10[%swap3A_349] {strides = array<i32>} : memref<32xi32, #tpu.memory_space<vmem>>, vector<16xi32>,
        tpu.vector_store %arg10[%swap3A_349], %gather3A_348 {strides = array<i32>} : memref<32xi32, #tpu.memory_space<vmem>>, vector<16xi32>,
        %broadcast_in_dim3A_351 = arith.constant 2 : i32
        %broadcast_in_dim3A_352 = vector.broadcast %broadcast_in_dim3A_351 : i32 to vector<16xi32>
        %gather3A_353 = tpu.vector_load_idx %arg5[%min3A_329, %broadcast_in_dim3A_352] : memref<6256x3xi32, #tpu.memory_space<vmem>>[vector<16xi32>, vector<16xi32>], vector<16xi32>,
        %swap3A_354 = arith.constant 0 : index
        %swap3A_355 = tpu.vector_load %arg11[%swap3A_354] {strides = array<i32>} : memref<32xi32, #tpu.memory_space<vmem>>, vector<16xi32>,
        tpu.vector_store %arg11[%swap3A_354], %gather3A_353 {strides = array<i32>} : memref<32xi32, #tpu.memory_space<vmem>>, vector<16xi32>,
        %gather3A_356 = tpu.vector_load_idx %arg5[%min3A_334, %broadcast_in_dim3A_352] : memref<6256x3xi32, #tpu.memory_space<vmem>>[vector<16xi32>, vector<16xi32>], vector<16xi32>,
        %swap3A_357 = arith.constant 16 : index
        %swap3A_358 = tpu.vector_load %arg11[%swap3A_357] {strides = array<i32>} : memref<32xi32, #tpu.memory_space<vmem>>, vector<16xi32>,
        tpu.vector_store %arg11[%swap3A_357], %gather3A_356 {strides = array<i32>} : memref<32xi32, #tpu.memory_space<vmem>>, vector<16xi32>,
        %dma_start3A_359 = arith.constant 0 : i32
        %dma_start3A_360 = arith.constant 0 : i32
        %dma_start3A_361 = tpu.memref_slice %arg2[%dma_start3A_359, %dma_start3A_360] : memref<16384x256xi32, #tpu.memory_space<hbm>> -> memref<16384x256xi32, #tpu.memory_space<hbm>>
        tpu.enqueue_indirect_dma source(%dma_start3A_361 : memref<16384x256xi32, #tpu.memory_space<hbm>>) target(%arg18 : memref<32x256xi32, #tpu.memory_space<vmem>>) offsets(%arg9 : memref<32xi32, #tpu.memory_space<vmem>>) semaphore(%arg26 : memref<!tpu.dma_semaphore, #tpu.memory_space<semaphore_mem>>)
        %dma_start3A_362 = arith.constant 0 : i32
        %dma_start3A_363 = arith.constant 0 : i32
        %dma_start3A_364 = tpu.memref_slice %arg2[%dma_start3A_362, %dma_start3A_363] : memref<16384x256xi32, #tpu.memory_space<hbm>> -> memref<16384x256xi32, #tpu.memory_space<hbm>>
        tpu.enqueue_indirect_dma source(%dma_start3A_364 : memref<16384x256xi32, #tpu.memory_space<hbm>>) target(%arg19 : memref<32x256xi32, #tpu.memory_space<vmem>>) offsets(%arg10 : memref<32xi32, #tpu.memory_space<vmem>>) semaphore(%arg26 : memref<!tpu.dma_semaphore, #tpu.memory_space<semaphore_mem>>)
        %dma_start3A_365 = arith.constant 0 : i32
        %dma_start3A_366 = arith.constant 0 : i32
        %dma_start3A_367 = tpu.memref_slice %arg2[%dma_start3A_365, %dma_start3A_366] : memref<16384x256xi32, #tpu.memory_space<hbm>> -> memref<16384x256xi32, #tpu.memory_space<hbm>>
        tpu.enqueue_indirect_dma source(%dma_start3A_367 : memref<16384x256xi32, #tpu.memory_space<hbm>>) target(%arg20 : memref<32x256xi32, #tpu.memory_space<vmem>>) offsets(%arg11 : memref<32xi32, #tpu.memory_space<vmem>>) semaphore(%arg26 : memref<!tpu.dma_semaphore, #tpu.memory_space<semaphore_mem>>)
      } else {
      }
      %add3A_265 = arith.constant 2 : i32
      %add3A_266 = arith.addi %mul3A_155, %add3A_265 : i32
      %dma_wait3A_267 = arith.constant 0 : i32
      %dma_wait3A_268 = arith.constant 0 : i32
      %dma_wait3A_269 = tpu.memref_slice %arg2[%dma_wait3A_267, %dma_wait3A_268] : memref<16384x256xi32, #tpu.memory_space<hbm>> -> memref<16384x256xi32, #tpu.memory_space<hbm>>
      tpu.wait_indirect_dma semaphore(%arg27 : memref<!tpu.dma_semaphore, #tpu.memory_space<semaphore_mem>>) src(%dma_wait3A_269 : memref<16384x256xi32, #tpu.memory_space<hbm>>) dst(%arg21 : memref<32x256xi32, #tpu.memory_space<vmem>>)
      %dma_wait3A_270 = arith.constant 0 : i32
      %dma_wait3A_271 = arith.constant 0 : i32
      %dma_wait3A_272 = tpu.memref_slice %arg2[%dma_wait3A_270, %dma_wait3A_271] : memref<16384x256xi32, #tpu.memory_space<hbm>> -> memref<16384x256xi32, #tpu.memory_space<hbm>>
      tpu.wait_indirect_dma semaphore(%arg27 : memref<!tpu.dma_semaphore, #tpu.memory_space<semaphore_mem>>) src(%dma_wait3A_272 : memref<16384x256xi32, #tpu.memory_space<hbm>>) dst(%arg22 : memref<32x256xi32, #tpu.memory_space<vmem>>)
      %dma_wait3A_273 = arith.constant 0 : i32
      %dma_wait3A_274 = arith.constant 0 : i32
      %dma_wait3A_275 = tpu.memref_slice %arg2[%dma_wait3A_273, %dma_wait3A_274] : memref<16384x256xi32, #tpu.memory_space<hbm>> -> memref<16384x256xi32, #tpu.memory_space<hbm>>
      tpu.wait_indirect_dma semaphore(%arg27 : memref<!tpu.dma_semaphore, #tpu.memory_space<semaphore_mem>>) src(%dma_wait3A_275 : memref<16384x256xi32, #tpu.memory_space<hbm>>) dst(%arg23 : memref<32x256xi32, #tpu.memory_space<vmem>>)
      %scan3A_276 = arith.constant 0 : i32
      %scan3A_277 = arith.constant 256 : i32
      %scan3A_278 = arith.addi %scan3A_276, %scan3A_277 : i32
      %scan3A_279 = arith.constant 4 : i32
      %scan3A_280:4 = scf.for %scan3A_321 = %scan3A_276 to %scan3A_278 step %scan3A_279 iter_args(%scan3A_322 = %broadcast_in_dim3A_13, %scan3A_323 = %broadcast_in_dim3A_13, %scan3A_324 = %broadcast_in_dim3A_13, %scan3A_325 = %broadcast_in_dim3A_13) -> (vector<16xf32>, vector<16xf32>, vector<16xf32>, vector<16xf32>)  : i32 {
        %add3A_326 = vector.broadcast %scan3A_321 : i32 to vector<16xi32>
        %add3A_327 = arith.addi %iota3A, %add3A_326 : vector<16xi32>
        %and3A = arith.constant 255 : i32
        %and3A_328 = vector.broadcast %and3A : i32 to vector<16xi32>
        %and3A_329 = arith.andi %add3A_327, %and3A_328 : vector<16xi32>
        %gather3A_330 = tpu.vector_load_idx %arg21[%iota3A, %and3A_329] : memref<32x256xi32, #tpu.memory_space<vmem>>[vector<16xi32>, vector<16xi32>], vector<16xi32>,
        %gather3A_331 = tpu.vector_load_idx %arg22[%iota3A, %and3A_329] : memref<32x256xi32, #tpu.memory_space<vmem>>[vector<16xi32>, vector<16xi32>], vector<16xi32>,
        %gather3A_332 = tpu.vector_load_idx %arg23[%iota3A, %and3A_329] : memref<32x256xi32, #tpu.memory_space<vmem>>[vector<16xi32>, vector<16xi32>], vector<16xi32>,
        %gather3A_333 = tpu.vector_load_idx %arg21[%add3A_12, %and3A_329] : memref<32x256xi32, #tpu.memory_space<vmem>>[vector<16xi32>, vector<16xi32>], vector<16xi32>,
        %gather3A_334 = tpu.vector_load_idx %arg22[%add3A_12, %and3A_329] : memref<32x256xi32, #tpu.memory_space<vmem>>[vector<16xi32>, vector<16xi32>], vector<16xi32>,
        %gather3A_335 = tpu.vector_load_idx %arg23[%add3A_12, %and3A_329] : memref<32x256xi32, #tpu.memory_space<vmem>>[vector<16xi32>, vector<16xi32>], vector<16xi32>,
        %bitcast3A = vector.bitcast %gather3A_330 : vector<16xi32> to vector<32xbf16>
        %bitcast3A_336 = vector.bitcast %gather3A_331 : vector<16xi32> to vector<32xbf16>
        %bitcast3A_337 = vector.bitcast %gather3A_332 : vector<16xi32> to vector<32xbf16>
        %sub3A_338 = arith.subf %bitcast3A_336, %bitcast3A_337 : vector<32xbf16>
        %add3A_339 = arith.addf %bitcast3A_336, %bitcast3A_337 : vector<32xbf16>
        %add3A_340 = arith.addf %bitcast3A, %bitcast3A : vector<32xbf16>
        %sub3A_341 = arith.subf %add3A_339, %add3A_340 : vector<32xbf16>
        %mul3A_342 = arith.mulf %sub3A_338, %sub3A_341 : vector<32xbf16>
        %unpack3A = tpu.unpack_subelements %mul3A_342, 0 {pack_format = #tpu.pack_format<interleaved>} : vector<32xbf16> -> vector<16xf32>
        %unpack3A_343 = tpu.unpack_subelements %mul3A_342, 1 {pack_format = #tpu.pack_format<interleaved>} : vector<32xbf16> -> vector<16xf32>
        %bitcast3A_344 = vector.bitcast %gather3A_333 : vector<16xi32> to vector<32xbf16>
        %bitcast3A_345 = vector.bitcast %gather3A_334 : vector<16xi32> to vector<32xbf16>
        %bitcast3A_346 = vector.bitcast %gather3A_335 : vector<16xi32> to vector<32xbf16>
        %sub3A_347 = arith.subf %bitcast3A_345, %bitcast3A_346 : vector<32xbf16>
        %add3A_348 = arith.addf %bitcast3A_345, %bitcast3A_346 : vector<32xbf16>
        %add3A_349 = arith.addf %bitcast3A_344, %bitcast3A_344 : vector<32xbf16>
        %sub3A_350 = arith.subf %add3A_348, %add3A_349 : vector<32xbf16>
        %mul3A_351 = arith.mulf %sub3A_347, %sub3A_350 : vector<32xbf16>
        %unpack3A_352 = tpu.unpack_subelements %mul3A_351, 0 {pack_format = #tpu.pack_format<interleaved>} : vector<32xbf16> -> vector<16xf32>
        %unpack3A_353 = tpu.unpack_subelements %mul3A_351, 1 {pack_format = #tpu.pack_format<interleaved>} : vector<32xbf16> -> vector<16xf32>
        %add3A_354 = arith.addf %scan3A_322, %unpack3A : vector<16xf32>
        %add3A_355 = arith.addf %scan3A_323, %unpack3A_343 : vector<16xf32>
        %add3A_356 = arith.addf %scan3A_324, %unpack3A_352 : vector<16xf32>
        %add3A_357 = arith.addf %scan3A_325, %unpack3A_353 : vector<16xf32>
        %scan3A_358 = arith.constant 1 : i32
        %scan3A_359 = arith.addi %scan3A_321, %scan3A_358 : i32
        %add3A_360 = vector.broadcast %scan3A_359 : i32 to vector<16xi32>
        %add3A_361 = arith.addi %iota3A, %add3A_360 : vector<16xi32>
        %and3A_362 = arith.constant 255 : i32
        %and3A_363 = vector.broadcast %and3A_362 : i32 to vector<16xi32>
        %and3A_364 = arith.andi %add3A_361, %and3A_363 : vector<16xi32>
        %gather3A_365 = tpu.vector_load_idx %arg21[%iota3A, %and3A_364] : memref<32x256xi32, #tpu.memory_space<vmem>>[vector<16xi32>, vector<16xi32>], vector<16xi32>,
        %gather3A_366 = tpu.vector_load_idx %arg22[%iota3A, %and3A_364] : memref<32x256xi32, #tpu.memory_space<vmem>>[vector<16xi32>, vector<16xi32>], vector<16xi32>,
        %gather3A_367 = tpu.vector_load_idx %arg23[%iota3A, %and3A_364] : memref<32x256xi32, #tpu.memory_space<vmem>>[vector<16xi32>, vector<16xi32>], vector<16xi32>,
        %gather3A_368 = tpu.vector_load_idx %arg21[%add3A_12, %and3A_364] : memref<32x256xi32, #tpu.memory_space<vmem>>[vector<16xi32>, vector<16xi32>], vector<16xi32>,
        %gather3A_369 = tpu.vector_load_idx %arg22[%add3A_12, %and3A_364] : memref<32x256xi32, #tpu.memory_space<vmem>>[vector<16xi32>, vector<16xi32>], vector<16xi32>,
        %gather3A_370 = tpu.vector_load_idx %arg23[%add3A_12, %and3A_364] : memref<32x256xi32, #tpu.memory_space<vmem>>[vector<16xi32>, vector<16xi32>], vector<16xi32>,
        %bitcast3A_371 = vector.bitcast %gather3A_365 : vector<16xi32> to vector<32xbf16>
        %bitcast3A_372 = vector.bitcast %gather3A_366 : vector<16xi32> to vector<32xbf16>
        %bitcast3A_373 = vector.bitcast %gather3A_367 : vector<16xi32> to vector<32xbf16>
        %sub3A_374 = arith.subf %bitcast3A_372, %bitcast3A_373 : vector<32xbf16>
        %add3A_375 = arith.addf %bitcast3A_372, %bitcast3A_373 : vector<32xbf16>
        %add3A_376 = arith.addf %bitcast3A_371, %bitcast3A_371 : vector<32xbf16>
        %sub3A_377 = arith.subf %add3A_375, %add3A_376 : vector<32xbf16>
        %mul3A_378 = arith.mulf %sub3A_374, %sub3A_377 : vector<32xbf16>
        %unpack3A_379 = tpu.unpack_subelements %mul3A_378, 0 {pack_format = #tpu.pack_format<interleaved>} : vector<32xbf16> -> vector<16xf32>
        %unpack3A_380 = tpu.unpack_subelements %mul3A_378, 1 {pack_format = #tpu.pack_format<interleaved>} : vector<32xbf16> -> vector<16xf32>
        %bitcast3A_381 = vector.bitcast %gather3A_368 : vector<16xi32> to vector<32xbf16>
        %bitcast3A_382 = vector.bitcast %gather3A_369 : vector<16xi32> to vector<32xbf16>
        %bitcast3A_383 = vector.bitcast %gather3A_370 : vector<16xi32> to vector<32xbf16>
        %sub3A_384 = arith.subf %bitcast3A_382, %bitcast3A_383 : vector<32xbf16>
        %add3A_385 = arith.addf %bitcast3A_382, %bitcast3A_383 : vector<32xbf16>
        %add3A_386 = arith.addf %bitcast3A_381, %bitcast3A_381 : vector<32xbf16>
        %sub3A_387 = arith.subf %add3A_385, %add3A_386 : vector<32xbf16>
        %mul3A_388 = arith.mulf %sub3A_384, %sub3A_387 : vector<32xbf16>
        %unpack3A_389 = tpu.unpack_subelements %mul3A_388, 0 {pack_format = #tpu.pack_format<interleaved>} : vector<32xbf16> -> vector<16xf32>
        %unpack3A_390 = tpu.unpack_subelements %mul3A_388, 1 {pack_format = #tpu.pack_format<interleaved>} : vector<32xbf16> -> vector<16xf32>
        %add3A_391 = arith.addf %add3A_354, %unpack3A_379 : vector<16xf32>
        %add3A_392 = arith.addf %add3A_355, %unpack3A_380 : vector<16xf32>
        %add3A_393 = arith.addf %add3A_356, %unpack3A_389 : vector<16xf32>
        %add3A_394 = arith.addf %add3A_357, %unpack3A_390 : vector<16xf32>
        %scan3A_395 = arith.constant 2 : i32
        %scan3A_396 = arith.addi %scan3A_321, %scan3A_395 : i32
        %add3A_397 = vector.broadcast %scan3A_396 : i32 to vector<16xi32>
        %add3A_398 = arith.addi %iota3A, %add3A_397 : vector<16xi32>
        %and3A_399 = arith.constant 255 : i32
        %and3A_400 = vector.broadcast %and3A_399 : i32 to vector<16xi32>
        %and3A_401 = arith.andi %add3A_398, %and3A_400 : vector<16xi32>
        %gather3A_402 = tpu.vector_load_idx %arg21[%iota3A, %and3A_401] : memref<32x256xi32, #tpu.memory_space<vmem>>[vector<16xi32>, vector<16xi32>], vector<16xi32>,
        %gather3A_403 = tpu.vector_load_idx %arg22[%iota3A, %and3A_401] : memref<32x256xi32, #tpu.memory_space<vmem>>[vector<16xi32>, vector<16xi32>], vector<16xi32>,
        %gather3A_404 = tpu.vector_load_idx %arg23[%iota3A, %and3A_401] : memref<32x256xi32, #tpu.memory_space<vmem>>[vector<16xi32>, vector<16xi32>], vector<16xi32>,
        %gather3A_405 = tpu.vector_load_idx %arg21[%add3A_12, %and3A_401] : memref<32x256xi32, #tpu.memory_space<vmem>>[vector<16xi32>, vector<16xi32>], vector<16xi32>,
        %gather3A_406 = tpu.vector_load_idx %arg22[%add3A_12, %and3A_401] : memref<32x256xi32, #tpu.memory_space<vmem>>[vector<16xi32>, vector<16xi32>], vector<16xi32>,
        %gather3A_407 = tpu.vector_load_idx %arg23[%add3A_12, %and3A_401] : memref<32x256xi32, #tpu.memory_space<vmem>>[vector<16xi32>, vector<16xi32>], vector<16xi32>,
        %bitcast3A_408 = vector.bitcast %gather3A_402 : vector<16xi32> to vector<32xbf16>
        %bitcast3A_409 = vector.bitcast %gather3A_403 : vector<16xi32> to vector<32xbf16>
        %bitcast3A_410 = vector.bitcast %gather3A_404 : vector<16xi32> to vector<32xbf16>
        %sub3A_411 = arith.subf %bitcast3A_409, %bitcast3A_410 : vector<32xbf16>
        %add3A_412 = arith.addf %bitcast3A_409, %bitcast3A_410 : vector<32xbf16>
        %add3A_413 = arith.addf %bitcast3A_408, %bitcast3A_408 : vector<32xbf16>
        %sub3A_414 = arith.subf %add3A_412, %add3A_413 : vector<32xbf16>
        %mul3A_415 = arith.mulf %sub3A_411, %sub3A_414 : vector<32xbf16>
        %unpack3A_416 = tpu.unpack_subelements %mul3A_415, 0 {pack_format = #tpu.pack_format<interleaved>} : vector<32xbf16> -> vector<16xf32>
        %unpack3A_417 = tpu.unpack_subelements %mul3A_415, 1 {pack_format = #tpu.pack_format<interleaved>} : vector<32xbf16> -> vector<16xf32>
        %bitcast3A_418 = vector.bitcast %gather3A_405 : vector<16xi32> to vector<32xbf16>
        %bitcast3A_419 = vector.bitcast %gather3A_406 : vector<16xi32> to vector<32xbf16>
        %bitcast3A_420 = vector.bitcast %gather3A_407 : vector<16xi32> to vector<32xbf16>
        %sub3A_421 = arith.subf %bitcast3A_419, %bitcast3A_420 : vector<32xbf16>
        %add3A_422 = arith.addf %bitcast3A_419, %bitcast3A_420 : vector<32xbf16>
        %add3A_423 = arith.addf %bitcast3A_418, %bitcast3A_418 : vector<32xbf16>
        %sub3A_424 = arith.subf %add3A_422, %add3A_423 : vector<32xbf16>
        %mul3A_425 = arith.mulf %sub3A_421, %sub3A_424 : vector<32xbf16>
        %unpack3A_426 = tpu.unpack_subelements %mul3A_425, 0 {pack_format = #tpu.pack_format<interleaved>} : vector<32xbf16> -> vector<16xf32>
        %unpack3A_427 = tpu.unpack_subelements %mul3A_425, 1 {pack_format = #tpu.pack_format<interleaved>} : vector<32xbf16> -> vector<16xf32>
        %add3A_428 = arith.addf %add3A_391, %unpack3A_416 : vector<16xf32>
        %add3A_429 = arith.addf %add3A_392, %unpack3A_417 : vector<16xf32>
        %add3A_430 = arith.addf %add3A_393, %unpack3A_426 : vector<16xf32>
        %add3A_431 = arith.addf %add3A_394, %unpack3A_427 : vector<16xf32>
        %scan3A_432 = arith.constant 3 : i32
        %scan3A_433 = arith.addi %scan3A_321, %scan3A_432 : i32
        %add3A_434 = vector.broadcast %scan3A_433 : i32 to vector<16xi32>
        %add3A_435 = arith.addi %iota3A, %add3A_434 : vector<16xi32>
        %and3A_436 = arith.constant 255 : i32
        %and3A_437 = vector.broadcast %and3A_436 : i32 to vector<16xi32>
        %and3A_438 = arith.andi %add3A_435, %and3A_437 : vector<16xi32>
        %gather3A_439 = tpu.vector_load_idx %arg21[%iota3A, %and3A_438] : memref<32x256xi32, #tpu.memory_space<vmem>>[vector<16xi32>, vector<16xi32>], vector<16xi32>,
        %gather3A_440 = tpu.vector_load_idx %arg22[%iota3A, %and3A_438] : memref<32x256xi32, #tpu.memory_space<vmem>>[vector<16xi32>, vector<16xi32>], vector<16xi32>,
        %gather3A_441 = tpu.vector_load_idx %arg23[%iota3A, %and3A_438] : memref<32x256xi32, #tpu.memory_space<vmem>>[vector<16xi32>, vector<16xi32>], vector<16xi32>,
        %gather3A_442 = tpu.vector_load_idx %arg21[%add3A_12, %and3A_438] : memref<32x256xi32, #tpu.memory_space<vmem>>[vector<16xi32>, vector<16xi32>], vector<16xi32>,
        %gather3A_443 = tpu.vector_load_idx %arg22[%add3A_12, %and3A_438] : memref<32x256xi32, #tpu.memory_space<vmem>>[vector<16xi32>, vector<16xi32>], vector<16xi32>,
        %gather3A_444 = tpu.vector_load_idx %arg23[%add3A_12, %and3A_438] : memref<32x256xi32, #tpu.memory_space<vmem>>[vector<16xi32>, vector<16xi32>], vector<16xi32>,
        %bitcast3A_445 = vector.bitcast %gather3A_439 : vector<16xi32> to vector<32xbf16>
        %bitcast3A_446 = vector.bitcast %gather3A_440 : vector<16xi32> to vector<32xbf16>
        %bitcast3A_447 = vector.bitcast %gather3A_441 : vector<16xi32> to vector<32xbf16>
        %sub3A_448 = arith.subf %bitcast3A_446, %bitcast3A_447 : vector<32xbf16>
        %add3A_449 = arith.addf %bitcast3A_446, %bitcast3A_447 : vector<32xbf16>
        %add3A_450 = arith.addf %bitcast3A_445, %bitcast3A_445 : vector<32xbf16>
        %sub3A_451 = arith.subf %add3A_449, %add3A_450 : vector<32xbf16>
        %mul3A_452 = arith.mulf %sub3A_448, %sub3A_451 : vector<32xbf16>
        %unpack3A_453 = tpu.unpack_subelements %mul3A_452, 0 {pack_format = #tpu.pack_format<interleaved>} : vector<32xbf16> -> vector<16xf32>
        %unpack3A_454 = tpu.unpack_subelements %mul3A_452, 1 {pack_format = #tpu.pack_format<interleaved>} : vector<32xbf16> -> vector<16xf32>
        %bitcast3A_455 = vector.bitcast %gather3A_442 : vector<16xi32> to vector<32xbf16>
        %bitcast3A_456 = vector.bitcast %gather3A_443 : vector<16xi32> to vector<32xbf16>
        %bitcast3A_457 = vector.bitcast %gather3A_444 : vector<16xi32> to vector<32xbf16>
        %sub3A_458 = arith.subf %bitcast3A_456, %bitcast3A_457 : vector<32xbf16>
        %add3A_459 = arith.addf %bitcast3A_456, %bitcast3A_457 : vector<32xbf16>
        %add3A_460 = arith.addf %bitcast3A_455, %bitcast3A_455 : vector<32xbf16>
        %sub3A_461 = arith.subf %add3A_459, %add3A_460 : vector<32xbf16>
        %mul3A_462 = arith.mulf %sub3A_458, %sub3A_461 : vector<32xbf16>
        %unpack3A_463 = tpu.unpack_subelements %mul3A_462, 0 {pack_format = #tpu.pack_format<interleaved>} : vector<32xbf16> -> vector<16xf32>
        %unpack3A_464 = tpu.unpack_subelements %mul3A_462, 1 {pack_format = #tpu.pack_format<interleaved>} : vector<32xbf16> -> vector<16xf32>
        %add3A_465 = arith.addf %add3A_428, %unpack3A_453 : vector<16xf32>
        %add3A_466 = arith.addf %add3A_429, %unpack3A_454 : vector<16xf32>
        %add3A_467 = arith.addf %add3A_430, %unpack3A_463 : vector<16xf32>
        %add3A_468 = arith.addf %add3A_431, %unpack3A_464 : vector<16xf32>
        scf.yield %add3A_465, %add3A_466, %add3A_467, %add3A_468 : vector<16xf32>, vector<16xf32>, vector<16xf32>, vector<16xf32>
      }
      %scan3A_281 = arith.constant 256 : i32
      %mul3A_282 = arith.constant 32 : i32
      %mul3A_283 = arith.muli %add3A_266, %mul3A_282 : i32
      %add3A_284 = arith.addf %scan3A_280#0, %scan3A_280#1 : vector<16xf32>
      %add3A_285 = arith.constant 1.000000e+00 : f32
      %add3A_286 = vector.broadcast %add3A_285 : f32 to vector<16xf32>
      %add3A_287 = arith.addf %add3A_284, %add3A_286 : vector<16xf32>
      %max3A_288 = arith.constant 0.000000e+00 : f32
      %max3A_289 = vector.broadcast %max3A_288 : f32 to vector<16xf32>
      %max3A_290 = arith.maximumf %add3A_287, %max3A_289 : vector<16xf32>
      %add3A_291 = arith.addf %scan3A_280#2, %scan3A_280#3 : vector<16xf32>
      %add3A_292 = arith.constant 1.000000e+00 : f32
      %add3A_293 = vector.broadcast %add3A_292 : f32 to vector<16xf32>
      %add3A_294 = arith.addf %add3A_291, %add3A_293 : vector<16xf32>
      %max3A_295 = arith.constant 0.000000e+00 : f32
      %max3A_296 = vector.broadcast %max3A_295 : f32 to vector<16xf32>
      %max3A_297 = arith.maximumf %add3A_294, %max3A_296 : vector<16xf32>
      %add3A_298 = vector.broadcast %mul3A_283 : i32 to vector<16xi32>
      %add3A_299 = arith.addi %add3A_298, %iota3A : vector<16xi32>
      %lt3A_300 = vector.broadcast %select_n3A : i32 to vector<16xi32>
      %lt3A_301 = arith.cmpi slt, %add3A_299, %lt3A_300 : vector<16xi32>
      %jit3A_302 = arith.constant 0.000000e+00 : f32
      %broadcast_in_dim3A_303 = vector.broadcast %jit3A_302 : f32 to vector<16xf32>
      %select_n3A_304 = arith.select %lt3A_301, %max3A_290, %broadcast_in_dim3A_303 : vector<16xi1>, vector<16xf32>
      %add3A_305 = vector.broadcast %mul3A_283 : i32 to vector<16xi32>
      %add3A_306 = arith.addi %add3A_305, %add3A_12 : vector<16xi32>
      %lt3A_307 = vector.broadcast %select_n3A : i32 to vector<16xi32>
      %lt3A_308 = arith.cmpi slt, %add3A_306, %lt3A_307 : vector<16xi32>
      %jit3A_309 = arith.constant 0.000000e+00 : f32
      %broadcast_in_dim3A_310 = vector.broadcast %jit3A_309 : f32 to vector<16xf32>
      %select_n3A_311 = arith.select %lt3A_308, %max3A_297, %broadcast_in_dim3A_310 : vector<16xi1>, vector<16xf32>
      %add3A_312 = arith.addf %add3A_257, %select_n3A_304 : vector<16xf32>
      %add3A_313 = arith.addf %add3A_312, %select_n3A_311 : vector<16xf32>
      %add3A_314 = arith.constant 3 : i32
      %add3A_315 = arith.addi %add3A_266, %add3A_314 : i32
      %lt3A_316 = arith.constant 198 : i32
      %lt3A_317 = arith.cmpi slt, %add3A_315, %lt3A_316 : i32
      %convert_element_type3A_318 = arith.extui %lt3A_317 : i1 to i32
      %cond3A_319 = arith.constant 0 : i32
      %cond3A_320 = arith.cmpi ne, %convert_element_type3A_318, %cond3A_319 : i32
      scf.if %cond3A_320 {
        %add3A_321 = arith.constant 3 : i32
        %add3A_322 = arith.addi %add3A_266, %add3A_321 : i32
        %mul3A_323 = arith.constant 32 : i32
        %mul3A_324 = arith.muli %add3A_322, %mul3A_323 : i32
        %add3A_325 = vector.broadcast %mul3A_324 : i32 to vector<16xi32>
        %add3A_326 = arith.addi %add3A_325, %iota3A : vector<16xi32>
        %min3A_327 = arith.constant 6255 : i32
        %min3A_328 = vector.broadcast %min3A_327 : i32 to vector<16xi32>
        %min3A_329 = arith.minsi %add3A_326, %min3A_328 : vector<16xi32>
        %add3A_330 = vector.broadcast %mul3A_324 : i32 to vector<16xi32>
        %add3A_331 = arith.addi %add3A_330, %add3A_12 : vector<16xi32>
        %min3A_332 = arith.constant 6255 : i32
        %min3A_333 = vector.broadcast %min3A_332 : i32 to vector<16xi32>
        %min3A_334 = arith.minsi %add3A_331, %min3A_333 : vector<16xi32>
        %broadcast_in_dim3A_335 = arith.constant 0 : i32
        %broadcast_in_dim3A_336 = vector.broadcast %broadcast_in_dim3A_335 : i32 to vector<16xi32>
        %gather3A_337 = tpu.vector_load_idx %arg5[%min3A_329, %broadcast_in_dim3A_336] : memref<6256x3xi32, #tpu.memory_space<vmem>>[vector<16xi32>, vector<16xi32>], vector<16xi32>,
        %swap3A_338 = arith.constant 0 : index
        %swap3A_339 = tpu.vector_load %arg12[%swap3A_338] {strides = array<i32>} : memref<32xi32, #tpu.memory_space<vmem>>, vector<16xi32>,
        tpu.vector_store %arg12[%swap3A_338], %gather3A_337 {strides = array<i32>} : memref<32xi32, #tpu.memory_space<vmem>>, vector<16xi32>,
        %gather3A_340 = tpu.vector_load_idx %arg5[%min3A_334, %broadcast_in_dim3A_336] : memref<6256x3xi32, #tpu.memory_space<vmem>>[vector<16xi32>, vector<16xi32>], vector<16xi32>,
        %swap3A_341 = arith.constant 16 : index
        %swap3A_342 = tpu.vector_load %arg12[%swap3A_341] {strides = array<i32>} : memref<32xi32, #tpu.memory_space<vmem>>, vector<16xi32>,
        tpu.vector_store %arg12[%swap3A_341], %gather3A_340 {strides = array<i32>} : memref<32xi32, #tpu.memory_space<vmem>>, vector<16xi32>,
        %broadcast_in_dim3A_343 = arith.constant 1 : i32
        %broadcast_in_dim3A_344 = vector.broadcast %broadcast_in_dim3A_343 : i32 to vector<16xi32>
        %gather3A_345 = tpu.vector_load_idx %arg5[%min3A_329, %broadcast_in_dim3A_344] : memref<6256x3xi32, #tpu.memory_space<vmem>>[vector<16xi32>, vector<16xi32>], vector<16xi32>,
        %swap3A_346 = arith.constant 0 : index
        %swap3A_347 = tpu.vector_load %arg13[%swap3A_346] {strides = array<i32>} : memref<32xi32, #tpu.memory_space<vmem>>, vector<16xi32>,
        tpu.vector_store %arg13[%swap3A_346], %gather3A_345 {strides = array<i32>} : memref<32xi32, #tpu.memory_space<vmem>>, vector<16xi32>,
        %gather3A_348 = tpu.vector_load_idx %arg5[%min3A_334, %broadcast_in_dim3A_344] : memref<6256x3xi32, #tpu.memory_space<vmem>>[vector<16xi32>, vector<16xi32>], vector<16xi32>,
        %swap3A_349 = arith.constant 16 : index
        %swap3A_350 = tpu.vector_load %arg13[%swap3A_349] {strides = array<i32>} : memref<32xi32, #tpu.memory_space<vmem>>, vector<16xi32>,
        tpu.vector_store %arg13[%swap3A_349], %gather3A_348 {strides = array<i32>} : memref<32xi32, #tpu.memory_space<vmem>>, vector<16xi32>,
        %broadcast_in_dim3A_351 = arith.constant 2 : i32
        %broadcast_in_dim3A_352 = vector.broadcast %broadcast_in_dim3A_351 : i32 to vector<16xi32>
        %gather3A_353 = tpu.vector_load_idx %arg5[%min3A_329, %broadcast_in_dim3A_352] : memref<6256x3xi32, #tpu.memory_space<vmem>>[vector<16xi32>, vector<16xi32>], vector<16xi32>,
        %swap3A_354 = arith.constant 0 : index
        %swap3A_355 = tpu.vector_load %arg14[%swap3A_354] {strides = array<i32>} : memref<32xi32, #tpu.memory_space<vmem>>, vector<16xi32>,
        tpu.vector_store %arg14[%swap3A_354], %gather3A_353 {strides = array<i32>} : memref<32xi32, #tpu.memory_space<vmem>>, vector<16xi32>,
        %gather3A_356 = tpu.vector_load_idx %arg5[%min3A_334, %broadcast_in_dim3A_352] : memref<6256x3xi32, #tpu.memory_space<vmem>>[vector<16xi32>, vector<16xi32>], vector<16xi32>,
        %swap3A_357 = arith.constant 16 : index
        %swap3A_358 = tpu.vector_load %arg14[%swap3A_357] {strides = array<i32>} : memref<32xi32, #tpu.memory_space<vmem>>, vector<16xi32>,
        tpu.vector_store %arg14[%swap3A_357], %gather3A_356 {strides = array<i32>} : memref<32xi32, #tpu.memory_space<vmem>>, vector<16xi32>,
        %dma_start3A_359 = arith.constant 0 : i32
        %dma_start3A_360 = arith.constant 0 : i32
        %dma_start3A_361 = tpu.memref_slice %arg2[%dma_start3A_359, %dma_start3A_360] : memref<16384x256xi32, #tpu.memory_space<hbm>> -> memref<16384x256xi32, #tpu.memory_space<hbm>>
        tpu.enqueue_indirect_dma source(%dma_start3A_361 : memref<16384x256xi32, #tpu.memory_space<hbm>>) target(%arg21 : memref<32x256xi32, #tpu.memory_space<vmem>>) offsets(%arg12 : memref<32xi32, #tpu.memory_space<vmem>>) semaphore(%arg27 : memref<!tpu.dma_semaphore, #tpu.memory_space<semaphore_mem>>)
        %dma_start3A_362 = arith.constant 0 : i32
        %dma_start3A_363 = arith.constant 0 : i32
        %dma_start3A_364 = tpu.memref_slice %arg2[%dma_start3A_362, %dma_start3A_363] : memref<16384x256xi32, #tpu.memory_space<hbm>> -> memref<16384x256xi32, #tpu.memory_space<hbm>>
        tpu.enqueue_indirect_dma source(%dma_start3A_364 : memref<16384x256xi32, #tpu.memory_space<hbm>>) target(%arg22 : memref<32x256xi32, #tpu.memory_space<vmem>>) offsets(%arg13 : memref<32xi32, #tpu.memory_space<vmem>>) semaphore(%arg27 : memref<!tpu.dma_semaphore, #tpu.memory_space<semaphore_mem>>)
        %dma_start3A_365 = arith.constant 0 : i32
        %dma_start3A_366 = arith.constant 0 : i32
        %dma_start3A_367 = tpu.memref_slice %arg2[%dma_start3A_365, %dma_start3A_366] : memref<16384x256xi32, #tpu.memory_space<hbm>> -> memref<16384x256xi32, #tpu.memory_space<hbm>>
        tpu.enqueue_indirect_dma source(%dma_start3A_367 : memref<16384x256xi32, #tpu.memory_space<hbm>>) target(%arg23 : memref<32x256xi32, #tpu.memory_space<vmem>>) offsets(%arg14 : memref<32xi32, #tpu.memory_space<vmem>>) semaphore(%arg27 : memref<!tpu.dma_semaphore, #tpu.memory_space<semaphore_mem>>)
      } else {
      }
      scf.yield %add3A_313 : vector<16xf32>
    }
    %scan3A_149 = arith.constant 66 : i32
    %swap3A_150 = arith.constant 0 : index
    %swap3A_151 = tpu.vector_load %arg24[%swap3A_150] {strides = array<i32>} : memref<16xf32, #tpu.memory_space<vmem>>, vector<16xf32>,
    tpu.vector_store %arg24[%swap3A_150], %scan3A_148 {strides = array<i32>} : memref<16xf32, #tpu.memory_space<vmem>>, vector<16xf32>,
    "tpu.region"() ({
      %run_scoped3A = tpu.sem_alloc : memref<!tpu.dma_semaphore, #tpu.memory_space<semaphore_mem>>
      %dma_start3A_152 = arith.constant 0 : i32
      %dma_start3A_153 = tpu.memref_slice %arg4[%add3A, %dma_start3A_152] : memref<32x16xf32, #tpu.memory_space<hbm>> -> memref<1x16xf32, #tpu.memory_space<hbm>>
      %dma_start3A_154 = tpu.memref_squeeze %dma_start3A_153 : memref<1x16xf32, #tpu.memory_space<hbm>> -> memref<16xf32, #tpu.memory_space<hbm>>
      %dma_start3A_155 = arith.constant 0 : i32
      %dma_start3A_156 = tpu.memref_slice %arg4[%add3A, %dma_start3A_155] : memref<32x16xf32, #tpu.memory_space<hbm>> -> memref<1x16xf32, #tpu.memory_space<hbm>>
      %dma_start3A_157 = tpu.memref_squeeze %dma_start3A_156 : memref<1x16xf32, #tpu.memory_space<hbm>> -> memref<16xf32, #tpu.memory_space<hbm>>
      tpu.enqueue_dma source(%arg24 : memref<16xf32, #tpu.memory_space<vmem>>) target(%dma_start3A_157 : memref<16xf32, #tpu.memory_space<hbm>>) target_semaphore(%run_scoped3A : memref<!tpu.dma_semaphore, #tpu.memory_space<semaphore_mem>>)
      %dma_wait3A = arith.constant 0 : i32
      %dma_wait3A_158 = tpu.memref_slice %arg4[%add3A, %dma_wait3A] : memref<32x16xf32, #tpu.memory_space<hbm>> -> memref<1x16xf32, #tpu.memory_space<hbm>>
      %dma_wait3A_159 = tpu.memref_squeeze %dma_wait3A_158 : memref<1x16xf32, #tpu.memory_space<hbm>> -> memref<16xf32, #tpu.memory_space<hbm>>
      %dma_wait3A_160 = arith.constant 0 : i32
      %dma_wait3A_161 = tpu.memref_slice %arg4[%add3A, %dma_wait3A_160] : memref<32x16xf32, #tpu.memory_space<hbm>> -> memref<1x16xf32, #tpu.memory_space<hbm>>
      %dma_wait3A_162 = tpu.memref_squeeze %dma_wait3A_161 : memref<1x16xf32, #tpu.memory_space<hbm>> -> memref<16xf32, #tpu.memory_space<hbm>>
      tpu.wait_dma2 semaphore(%run_scoped3A : memref<!tpu.dma_semaphore, #tpu.memory_space<semaphore_mem>>) src(%arg24 : memref<16xf32, #tpu.memory_space<vmem>>) dst(%dma_wait3A_162 : memref<16xf32, #tpu.memory_space<hbm>>)
      tpu.yield
    }) : () -> ()
    return
  }
}

</mosaic_0001>

<sc_bundles>
// kernel: _tl_call.3.cloned.1.call-start
scs
__scs_entry_jumppad:
0x0: {  	(pc) =	sbr.rel $0x88, $3  }
0x1: {  	(tag) =	ssettag $0x0;
	lr =	simm.s32 $0x1  }
0x2: {  	[smem:$0x3F9F] =	sst lr;
	_ =	strace $0xD0000000  }
0x3: {  	_ = 	snop  }
0x4: {  	_ = 	snop  }
0x5: {  	_ = 	snop  }
0x6: {  	_ = 	snop  }
0x7: {  	_ = 	snop  }
__scs_overlays_trampoline_lowered:
0x8: {  	[smem:$0x3FAE] =	sst s0  }
0x9: {  	[smem:$0x3FAF] =	sst s1  }
0xa: {  	[smem:$0x3FB0] =	sst s2  }
0xb: {  	[smem:$0x3FB1] =	sst s3  }
0xc: {  	[smem:$0x3FB2] =	sst s4  }
0xd: {  	[smem:$0x3FB3] =	sst s5  }
0xe: {  	[smem:$0x3FB4] =	sst s6  }
0xf: {  	[smem:$0x3FB5] =	sst s7  }
0x10: {  	[smem:$0x3FB6] =	sst s8  }
0x11: {  	[smem:$0x3FB7] =	sst s9;
	s0 =	simm.s32 @!p0 $0x0  }
0x12: {  	s1 =	sld [smem:$0x3F9D];
	s0 =	simm.s32 @p0 $0x1  }
0x13: {  	[smem:$0x3FB8] =	sst s0;
	s0 =	simm.s32 @!p1 $0x0  }
0x14: {  	s2 =	sld [smem:$0x3F9C];
	s0 =	simm.s32 @p1 $0x1  }
0x15: {  	[smem:$0x3FB9] =	sst s0;
	s0 =	simm.s32 @!p2 $0x0  }
0x16: {  	s3 =	sld [smem:$0x3FDB];
	s0 =	simm.s32 @p2 $0x1  }
0x17: {  	s4 =	simm.s32 $0x1BF5;
	[smem:$0x3FBB] =	sst s0  }
0x18: {  	s0 =	sld [smem:$0x3F9E];
	_ =	swait.ge [sflag:s4], $0x0  }
0x19: {  	s7 =	sld [smem:$0x3F9F]  }
0x1a: {  	s8 =	sadd.s32 $0xFFFFE003, lr  }
0x1b: {  	s9 =	sadd.s32 $0xFFFFFEF7, lr;
	s5 =	simm.s32 $0xFFFFFFFF;
	p2 =	slt.u32 s8, $0xFFFFF086  }
0x1c: {  	p1 =	slt.u32 s9, $0xF7A;
	s5 =	simm.s32 @!p2 $0x0  }
0x1d: {  	s5 =	simm.s32 @p1 $0x1;
	p0 =	seq.s32 s7, s2  }
0x1e: {  	s7 =	smul.u32 @!p0 $0xF7A, s2;
	p2 =	seq.s32 @!p0 s5, $0x0  }
0x1f: {  	s9 =	smul.u32 $0xF7A, s1;
	s8 =	simm.s32 @!p0 $0x1BF5;
	p2 =	por !p2, p0  }
0x20: {  	[sflag:s8] =	ssyncset.s32 @!p0 $0xFFFFF086;
	s6 =	sadd.s32 @!p0 s3, s7;
	s7 =	simm.s32 @!p0 $0x108  }
0x21: {  	s3 =	sadd.s32 s3, s9;
	s6 =	sadd.s32 @!p0 $0x88, s6;
	s7 =	simm.s32 @p2 $0x1082  }
0x22: {  	[simem:s7], [sflag:s8] =	dma.local @!p0 [hbm:s6], $0xF7A  }
0x23: {  	s9 =	sor.u32 $0xD0000000, s2;
	s6 =	simm.s32 $0x108;
	_ =	swait.ge @!p0 [sflag:s8], $0x0  }
0x24: {  	s3 =	sadd.s32 $0x88, s3;
	s6 =	simm.s32 @!p1 $0x1082;
	[sflag:s4] =	ssyncset.s32 $0xFFFFF086  }
0x25: {  	[simem:s6], [sflag:s4] =	dma.local [hbm:s3], $0xF7A  }
0x26: {  	[smem:$0x3F9F] =	sst s1;
	(tag) =	ssettag s2;
	_ =	strace s9  }
0x27: {  	s1 =	sld [smem:$0x3FAF]  }
0x28: {  	s2 =	sld [smem:$0x3FB0]  }
0x29: {  	s4 =	sld [smem:$0x3FB2]  }
0x2a: {  	p0 =	seq.s32 s5, $0x0;
	s5 =	sld [smem:$0x3FB3]  }
0x2b: {  	s6 =	sld [smem:$0x3FB4]  }
0x2c: {  	s7 =	sld [smem:$0x3FB5]  }
0x2d: {  	s3 =	simm.s32 $0x108;
	s8 =	sld [smem:$0x3FB6]  }
0x2e: {  	s3 =	simm.s32 @!p0 $0x1082;
	s9 =	sld [smem:$0x3FB7]  }
0x2f: {  	lr =	sadd.s32 s0, s3;
	s0 =	sld [smem:$0x3FAE]  }
0x30: {  	s3 =	sld [smem:$0x3FB1]  }
0x31: {  	[smem:$0x3FBA] =	sst s10  }
0x32: {  	s10 =	sld [smem:$0x3FB8];
	_ =	sdelay $0x3  }
0x33: {  	p0 =	seq.s32 s10, $0x1;
	s10 =	sld [smem:$0x3FBA];
	_ =	sdelay $0x3  }
0x34: {  	[smem:$0x3FBA] =	sst s10  }
0x35: {  	s10 =	sld [smem:$0x3FB9];
	_ =	sdelay $0x3  }
0x36: {  	p1 =	seq.s32 s10, $0x1;
	s10 =	sld [smem:$0x3FBA];
	_ =	sdelay $0x3  }
0x37: {  	[smem:$0x3FBA] =	sst s10  }
0x38: {  	s10 =	sld [smem:$0x3FBB]  }
0x39: {  	_ = 	snop;
	(pc) =	sbr.ind lr, $3  }
0x3a: {  	_ = 	snop  }
0x3b: {  	_ = 	snop  }
0x3c: {  	p2 =	seq.s32 s10, $0x1;
	s10 =	sld [smem:$0x3FBA]  }
0x3d: {  	_ =	shalt  }
0x3e: {  	_ =	shalt  }
0x3f: {  	_ =	shalt  }
0x40: {  	_ =	shalt  }
0x41: {  	_ =	shalt  }
0x42: {  	_ =	shalt  }
0x43: {  	_ =	shalt  }
0x44: {  	_ =	shalt  }
0x45: {  	_ =	shalt  }
0x46: {  	_ =	shalt  }
0x47: {  	_ =	shalt  }
0x48: {  	_ =	shalt  }
0x49: {  	_ =	shalt  }
0x4a: {  	_ =	shalt  }
0x4b: {  	_ =	shalt  }
0x4c: {  	_ =	shalt  }
0x4d: {  	_ =	shalt  }
0x4e: {  	_ =	shalt  }
0x4f: {  	_ =	shalt  }
0x50: {  	_ =	shalt  }
0x51: {  	_ =	shalt  }
0x52: {  	_ =	shalt  }
0x53: {  	_ =	shalt  }
0x54: {  	_ =	shalt  }
0x55: {  	_ =	shalt  }
0x56: {  	_ =	shalt  }
0x57: {  	_ =	shalt  }
0x58: {  	_ =	shalt  }
0x59: {  	_ =	shalt  }
0x5a: {  	_ =	shalt  }
0x5b: {  	_ =	shalt  }
0x5c: {  	_ =	shalt  }
0x5d: {  	_ =	shalt  }
0x5e: {  	_ =	shalt  }
0x5f: {  	_ =	shalt  }
0x60: {  	_ =	shalt  }
0x61: {  	_ =	shalt  }
0x62: {  	_ =	shalt  }
0x63: {  	_ =	shalt  }
0x64: {  	_ =	shalt  }
0x65: {  	_ =	shalt  }
0x66: {  	_ =	shalt  }
0x67: {  	_ =	shalt  }
0x68: {  	_ =	shalt  }
0x69: {  	_ =	shalt  }
0x6a: {  	_ =	shalt  }
0x6b: {  	_ =	shalt  }
0x6c: {  	_ =	shalt  }
0x6d: {  	_ =	shalt  }
0x6e: {  	_ =	shalt  }
0x6f: {  	_ =	shalt  }
0x70: {  	_ =	shalt  }
0x71: {  	_ =	shalt  }
0x72: {  	_ =	shalt  }
0x73: {  	_ =	shalt  }
0x74: {  	_ =	shalt  }
0x75: {  	_ =	shalt  }
0x76: {  	_ =	shalt  }
0x77: {  	_ =	shalt  }
0x78: {  	_ =	shalt  }
0x79: {  	_ =	shalt  }
0x7a: {  	_ =	shalt  }
0x7b: {  	_ =	shalt  }
0x7c: {  	_ =	shalt  }
0x7d: {  	_ =	shalt  }
0x7e: {  	_ =	shalt  }
0x7f: {  	_ =	shalt  }
0x80: {  	_ =	shalt  }
0x81: {  	_ =	shalt  }
0x82: {  	_ =	shalt  }
0x83: {  	_ =	shalt  }
0x84: {  	_ =	shalt  }
0x85: {  	_ =	shalt  }
0x86: {  	_ =	shalt  }
0x87: {  	_ =	shalt  }
.Lfunc_end0:
.L_simem_size_0:
called_computation_lowered:
.L_overlay_start_0:
0x88: {  	s2 =	sld [smem:$0x3FD9]  }
0x89: {  	s3 =	sld [smem:$0x3FFE];
	_ =	sdelay $0x1  }
0x8a: {  	s1 =	srdreg.scid  }
0x8b: {  	s0 =	sand.u32 $0x1, s1  }
0x8c: {  	s17 =	sshll.u32 s0, $0xA;
	s2 =	sadd.s32 s3, s2  }
0x8d: {  	s2 =	sadd.s32 s2, s17  }
0x8e: {  	[smem:$0x3FC6] =	sst s2  }
0x8f: {  	_ = 	snop  }
0x90: {  	s2 =	sld [smem:$0x3FD0];
	(tm) =	ssettm $0x1  }
0x91: {  	s18 =	sld [smem:$0x3FFB];
	_ =	sdelay $0x3  }
0x92: {  	_ =	strace s18  }
0x93: {  	s3 =	sld [smem:$0x3FFC];
	_ =	sdelay $0x3  }
0x94: {  	_ =	strace s3  }
0x95: {  	s3 =	sld [smem:$0x3FFD];
	_ =	sdelay $0x3  }
0x96: {  	_ =	strace s3  }
0x97: {  	_ =	strace $0x8FFFFFFF  }
0x98: {  	s19 =	sld [smem:$0x3FDB];
	_ =	sdelay $0x1  }
0x99: {  	s4 =	simm.s32 $_scs_section_size  }
0x9a: {  	s5 =	simm.s32 $_size__tile_overlayer_lowered;
	s6 =	simm.s32 $_tile_overlayer_lowered  }
0x9b: {  	s22 =	simm.s32 $0x1BFF;
	s21 =	sshll.u32 s6, $0x1;
	s3 =	sadd.s32 s4, s19  }
0x9c: {  	s7 =	simm.s32 $0x0;
	s20 =	sshll.u32 s5, $0x1;
	s5 =	sadd.s32 s21, s3  }
0x9d: {  	[timem:s7], [sflag:s22] =	dma.local [hbm:s5], s20  }
0x9e: {  	_ =	swait.ge [sflag:s22], s20  }
0x9f: {  	s4 =	ssub.s32 $0x0, s20;
	[sflag:s22] =	ssyncset.done $0x0  }
0xa0: {  	[sflag:s22] =	ssyncadd.s32 s4;
	_ =	sdelay $0x1  }
0xa1: {  	s23 =	simm.s32 $0x1B8B  }
0xa2: {  	_ =	swait.ge [sflag:s23], $0x1  }
0xa3: {  	[sflag:s23] =	ssyncset.done $0x0  }
0xa4: {  	s25 =	simm.s32 $0x1B8E;
	s24 =	sld [smem:$0x3FFE];
	[sflag:s23] =	ssyncadd.s32 $0xFFFFFFFF  }
0xa5: {  	s26 =	simm.s32 $execute0_lowered;
	[smem:$0x3FD2] =	sst s25  }
0xa6: {  	s5 =	sshll.u32 s26, $0x1;
	_ =	strace $0x80000046;
	[dreg:$0x1] =	wrdreg $0xFFFFFFFF  }
0xa7: {  	s28 =	simm.s32 $_size_execute0_lowered;
	s3 =	sadd.s32 s3, s5;
	[dreg:$0x0] =	wrdreg $0x0  }
0xa8: {  	s5 =	sshll.u32 s28, $0x1;
	[dreg:$0x2] =	wrdreg s3  }
0xa9: {  	[dreg:$0x3] =	wrdreg s5  }
0xaa: {  	[dreg:$0x4] =	wrdreg $0xC0  }
0xab: {  	_ =	task [dreg:s7], $0x5FFFF  }
0xac: {  	[dreg:$0x1] =	wrdreg $0xFFFFFFFF  }
0xad: {  	[dreg:$0x0] =	wrdreg $0x60  }
0xae: {  	[dreg:$0x2] =	wrdreg s24  }
0xaf: {  	[dreg:$0x3] =	wrdreg s2  }
0xb0: {  	[dreg:$0x4] =	wrdreg $0x9  }
0xb1: {  	_ =	task.clear_ibuf [dreg:s7], $0x5FFFF;
	_ =	strace $0x90000046  }
0xb2: {  	s29 =	simm.s32 $0x9;
	_ =	strace $0x80000048  }
0xb3: {  	_ =	swait.ge [sflag:s29], $0x1  }
0xb4: {  	[sflag:s29] =	ssyncadd.s32 $0xFFFFFFFF  }
0xb5: {  	_ =	strace $0x90000048  }
0xb6: {  	_ =	sfence  }
0xb7: {  	s30 =	sld [smem:$0x0];
	_ =	sdelay $0x2  }
0xb8: {  	s31 =	sshll.u32 s1, $0xD;
	s1 =	sshrl.u32 s1, $0x2  }
0xb9: {  	s3 =	sand.u32 $0x4000, s31;
	s1 =	sadd.s32 s1, s30  }
0xba: {  	s0 =	sor.u32 s3, s0;
	s1 =	sshll.u32 s1, $0x11  }
0xbb: {  	s0 =	sor.u32 s1, s0  }
0xbc: {  	s0 =	sadd.s32 $0x8F2B, s0  }
0xbd: {  	[sflag:s0] =	ssyncadd.remote.s32 $0x1  }
0xbe: {  	_ =	sfence.sel $0xFFFF  }
0xbf: {  	[dreg:$0x0] =	wrdreg $0xFFFFFFFF;
	(pc) =	sbr.abs _section_cstart, $3  }
0xc0: {  	[dreg:$0x1] =	wrdreg $0xFFFFFFFF  }
0xc1: {  	_ =	task.clear_ibuf [dreg:s7], $0x2FFFF;
	_ =	strace $0x9FFFFFFF  }
0xc2: {  	(tm) =	ssettm $0x7FFFFFFF  }
0xc3: {  	_ =	shalt  }
tec
execute0_lowered:
.L_overlay_start_1:
0x0: {  	(tag) =	ssettag $0x1  }
0x1: {  	s0 =	srdreg.scid;
	s4 =	rddreg [dreg:$0x0]  }
0x2: {  	s7 =	stileid.u32;
	s5 =	rddreg [dreg:$0x1];
	s9 =	simm.s32 $0x1868  }
0x3: {  	s8 =	simm.s32 $0x20;
	s10 =	simm.s32 $0xC4A0;
	s12 =	simm.s32 $0xE4A0  }
0x4: {  	s14 =	simm.s32 $0x104A0;
	s16 =	simm.s32 $0x124A0;
	s17 =	simm.s32 $0xC400  }
0x5: {  	s18 =	simm.s32 $0x144A0;
	s19 =	simm.s32 $0xC420;
	s20 =	simm.s32 $0x164A0  }
0x6: {  	s21 =	simm.s32 $0xC440;
	s22 =	simm.s32 $0x184A0;
	s23 =	simm.s32 $0xC460  }
0x7: {  	s24 =	simm.s32 $0x1A4A0;
	s28 =	simm.s32 $0x1;
	s29 =	simm.s32 $0x2  }
0x8: {  	v0 =	vlaneseq.u32;
	s30 =	simm.s32 $0x3;
	s31 =	simm.s32 $0x1E4A0;
	s0 =	sand.u32 $0x1, s0  }
0x9: {  	s1 =	sshll.u32 s7, $0x1;
	p0 =	slt.u32 s7, $0xC;
	v2 =	vmul.u32 $0xFFFFFFFF, v0;
	s7 =	simm.s32 $0x4;
	v1 =	vmul.u32 $0x8, v0  }
0xa: {  	v16 =	vmul.u32 $0x100, v0;
	s1 =	sor.u32 s0, s1;
	s0 =	ssub.s32 $0x2, s0;
	s9 =	simm.s32 @!p0 $0x1870  }
0xb: {  	s2 =	smax.u32 s1, $0x18;
	s3 =	smul.u32 $0xC340, s1;
	s26 =	sshrl.u32 s0, $0x1;
	v3 =	vadd.s32 $0xFFFFFFF0, v2;
	v2 =	vadd.s32 s9, v2;
	v4 =	vor.u32 $0x80, v1  }
0xc: {  	s1 =	sshll.u32 s1, $0x1;
	v6 =	vor.u32 $0x81, v1;
	v7 =	vor.u32 $0x2, v1;
	v8 =	vor.u32 $0x82, v1;
	s6 =	sshll.u32 s2, $0x6;
	s2 =	simm.s32 $0x0  }
.Ltmp0:
0xd: {  	v9 =	vor.u32 $0x100, v1;
	v10 =	vor.u32 $0x180, v1;
	v11 =	vor.u32 $0x101, v1;
	s0 =	ssub.s32 s0, s26;
	s3 =	sadd.s32 s6, s3;
	(pc) =	sbr.rel .LBB2_1-.Ltmp0, $4  }
0xe: {  	v12 =	vor.u32 $0x181, v1;
	v13 =	vor.u32 $0x102, v1;
	v14 =	vor.u32 $0x182, v1;
	s5 =	sadd.s32 s5, s1;
	s26 =	simm.s32 $0x1C4A0;
	s3 =	sadd.s32 $0xFFFFFA00, s3  }
0xf: {  	v15 =	vor.u32 $0x200, v1;
	v17 =	vor.u32 $0x280, v1;
	v18 =	vor.u32 $0x201, v1;
	s1 =	simm.s32 $0x0;
	[smem:$0x7FF] =	sst s2;
	s25 =	sshrl.u32 s3, $0x3  }
0x10: {  	v19 =	vor.u32 $0x281, v1;
	v20 =	vor.u32 $0x202, v1;
	_ =	strace $0x80000047;
	[tilespmem:$0x1FFE0] =	vst v4;
	v4 =	vor.u32 $0x1, v1;
	s3 =	sadd.s32 $0x32200, s4;
	s4 =	sadd.s32 s25, s4  }
0x11: {  	v21 =	vor.u32 $0x282, v1;
	v22 =	vor.u32 $0x1000, v16;
	v3 =	vadd.s32 s9, v3;
	s6 =	smax.u32 s0, $0x1;
	[tilespmem:$0x1FFF0] =	vst v4;
	s25 =	simm.s32 $0xC480;
	s4 =	sadd.s32 $0x1400, s4  }
.LBB2_10:
0x12: {  	s1 =	sadd.s32 $0x1, s1  }
0x13: {  	p0 =	sne.s32 s1, s6  }
.Ltmp1:
0x14: {  	[tilespmem:$0x1E4A0] =	vst v24;
	(pc) =	sbr.rel @!p0 .LBB2_11-.Ltmp1, $4  }
0x15: {  	[hbm4b:s5+s2] =	stream.linear.scatter [tilespmem:s31], [sflag:$0x4], $0x10, $0x38;
	[tilespmem:$0x1E4B0] =	vst v63  }
0x16: {  	_ =	swait.ge [sflag:s7], $0x10  }
0x17: {  	[sflag:s7] =	ssyncset.done $0x0  }
0x18: {  	[sflag:s7] =	ssyncadd.s32 $0xFFFFFFF0  }
.LBB2_1:
0x19: {  	[tilespmem:s2], [sflag:$0x4] =	stream.linear.gather [hbm4b:s4+s2], $0xC380, $0x38;
	[tilespmem:$0x1E4B0] =	vst v63  }
0x1a: {  	_ =	swait.ge [sflag:s7], $0xC380  }
0x1b: {  	[sflag:s7] =	ssyncset.done $0x0;
	v4 =	vld [tilespmem:$0x1FFE0]  }
0x1c: {  	[sflag:s7] =	ssyncadd.s32 $0xFFFF3C80  }
0x1d: {  	v23 =	vld.idx.msk [tilespmem:v1+s2+$0x0], $0xffff;
	_ =	sdelay $0x4  }
0x1e: {  	[tilespmem:$0xC380] =	vst v23  }
0x1f: {  	v23 =	vld.idx.msk [tilespmem:v4+s2+$0x0], $0xffff  }
0x20: {  	v4 =	vld [tilespmem:$0x1FFF0];
	_ =	sdelay $0x6  }
0x21: {  	[tilespmem:$0xC390] =	vst v23  }
0x22: {  	v23 =	vld.idx.msk [tilespmem:v4+s2+$0x0], $0xffff;
	_ =	sdelay $0x4  }
0x23: {  	[tilespmem:$0xC3A0] =	vst v23  }
0x24: {  	v23 =	vld.idx.msk [tilespmem:v6+s2+$0x0], $0xffff;
	_ =	sdelay $0x4  }
0x25: {  	[tilespmem:$0xC3B0] =	vst v23  }
0x26: {  	v23 =	vld.idx.msk [tilespmem:v7+s2+$0x0], $0xffff;
	_ =	sdelay $0x4  }
0x27: {  	[tilespmem:$0xC3C0] =	vst v23  }
0x28: {  	v23 =	vld.idx.msk [tilespmem:v8+s2+$0x0], $0xffff;
	_ =	sdelay $0x4  }
0x29: {  	s0 =	simm.s32 $0xC380;
	[tilespmem:$0xC3D0] =	vst v23  }
0x2a: {  	[tilespmem:s10], [sflag:$0x1] =	stream.indirect.gather [hbm4b:s3+s8], $0x100, s0, s8, $0xb8;
	[tilespmem:$0x1E4B0] =	vst v63  }
0x2b: {  	s11 =	simm.s32 $0xC3A0  }
0x2c: {  	[tilespmem:s12], [sflag:$0x1] =	stream.indirect.gather [hbm4b:s3+s8], $0x100, s11, s8, $0xb8;
	[tilespmem:$0x1E4B0] =	vst v63  }
0x2d: {  	s13 =	simm.s32 $0xC3C0  }
0x2e: {  	[tilespmem:s14], [sflag:$0x1] =	stream.indirect.gather [hbm4b:s3+s8], $0x100, s13, s8, $0xb8;
	[tilespmem:$0x1E4B0] =	vst v63  }
0x2f: {  	v23 =	vld.idx.msk [tilespmem:v9+s2+$0x0], $0xffff;
	_ =	sdelay $0x4  }
0x30: {  	[tilespmem:$0xC3E0] =	vst v23  }
0x31: {  	v23 =	vld.idx.msk [tilespmem:v10+s2+$0x0], $0xffff;
	_ =	sdelay $0x4  }
0x32: {  	[tilespmem:$0xC3F0] =	vst v23  }
0x33: {  	v23 =	vld.idx.msk [tilespmem:v11+s2+$0x0], $0xffff;
	_ =	sdelay $0x4  }
0x34: {  	[tilespmem:$0xC400] =	vst v23  }
0x35: {  	v23 =	vld.idx.msk [tilespmem:v12+s2+$0x0], $0xffff;
	_ =	sdelay $0x4  }
0x36: {  	[tilespmem:$0xC410] =	vst v23  }
0x37: {  	v23 =	vld.idx.msk [tilespmem:v13+s2+$0x0], $0xffff;
	_ =	sdelay $0x4  }
0x38: {  	[tilespmem:$0xC420] =	vst v23  }
0x39: {  	v23 =	vld.idx.msk [tilespmem:v14+s2+$0x0], $0xffff;
	_ =	sdelay $0x4  }
0x3a: {  	s15 =	simm.s32 $0xC3E0;
	[tilespmem:$0xC430] =	vst v23  }
0x3b: {  	[tilespmem:s16], [sflag:$0x2] =	stream.indirect.gather [hbm4b:s3+s8], $0x100, s15, s8, $0xb8;
	[tilespmem:$0x1E4B0] =	vst v63  }
0x3c: {  	_ = 	snop  }
0x3d: {  	[tilespmem:s18], [sflag:$0x2] =	stream.indirect.gather [hbm4b:s3+s8], $0x100, s17, s8, $0xb8;
	[tilespmem:$0x1E4B0] =	vst v63  }
0x3e: {  	_ = 	snop  }
0x3f: {  	[tilespmem:s20], [sflag:$0x2] =	stream.indirect.gather [hbm4b:s3+s8], $0x100, s19, s8, $0xb8;
	[tilespmem:$0x1E4B0] =	vst v63  }
0x40: {  	v23 =	vld.idx.msk [tilespmem:v15+s2+$0x0], $0xffff;
	_ =	sdelay $0x4  }
0x41: {  	[tilespmem:$0xC440] =	vst v23  }
0x42: {  	v23 =	vld.idx.msk [tilespmem:v17+s2+$0x0], $0xffff;
	_ =	sdelay $0x4  }
0x43: {  	[tilespmem:$0xC450] =	vst v23  }
0x44: {  	v23 =	vld.idx.msk [tilespmem:v18+s2+$0x0], $0xffff;
	_ =	sdelay $0x4  }
0x45: {  	[tilespmem:$0xC460] =	vst v23  }
0x46: {  	v23 =	vld.idx.msk [tilespmem:v19+s2+$0x0], $0xffff;
	_ =	sdelay $0x4  }
0x47: {  	[tilespmem:$0xC470] =	vst v23  }
0x48: {  	v23 =	vld.idx.msk [tilespmem:v20+s2+$0x0], $0xffff;
	_ =	sdelay $0x4  }
0x49: {  	[tilespmem:$0xC480] =	vst v23  }
0x4a: {  	v23 =	vld.idx.msk [tilespmem:v21+s2+$0x0], $0xffff;
	_ =	sdelay $0x4  }
0x4b: {  	[tilespmem:$0xC490] =	vst v23  }
0x4c: {  	[tilespmem:s22], [sflag:$0x3] =	stream.indirect.gather [hbm4b:s3+s8], $0x100, s21, s8, $0xb8;
	[tilespmem:$0x1E4B0] =	vst v63  }
0x4d: {  	_ = 	snop  }
0x4e: {  	[tilespmem:s24], [sflag:$0x3] =	stream.indirect.gather [hbm4b:s3+s8], $0x100, s23, s8, $0xb8;
	[tilespmem:$0x1E4B0] =	vst v63  }
0x4f: {  	s0 =	simm.s32 $0x0  }
0x50: {  	v24 =	vimm.f32 $0.0e+00;
	v23 =	vimm.f32 $0.0e+00;
	[tilespmem:s26], [sflag:$0x3] =	stream.indirect.gather [hbm4b:s3+s8], $0x100, s25, s8, $0xb8;
	[tilespmem:$0x1E4B0] =	vst v63  }
.LBB2_2:
0x51: {  	_ =	swait.ge [sflag:s28], $0x2000  }
0x52: {  	s9 =	simm.s32 $0x1;
	[sflag:s28] =	ssyncset.done $0x0  }
0x53: {  	v25 =	vadd.s32 s9, v0;
	[sflag:s28] =	ssyncadd.s32 $0xFFFFE000  }
0x54: {  	v25 =	vand.u32 $0xFF, v25;
	_ =	swait.ge [sflag:s28], $0x2000  }
0x55: {  	v26 =	vor.u32 v22, v25;
	[sflag:s28] =	ssyncset.done $0x0  }
0x56: {  	s11 =	simm.s32 $0x0;
	[sflag:s28] =	ssyncadd.s32 $0xFFFFE000  }
0x57: {  	v27 =	vadd.s32 s11, v0;
	_ =	swait.ge [sflag:s28], $0x2000  }
0x58: {  	v27 =	vand.u32 $0xFF, v27;
	v25 =	vor.u32 v16, v25;
	[sflag:s28] =	ssyncset.done $0x0  }
0x59: {  	s13 =	simm.s32 $0x2;
	v28 =	vor.u32 v22, v27;
	[sflag:s28] =	ssyncadd.s32 $0xFFFFE000  }
0x5a: {  	s11 =	simm.s32 $0x3;
	v29 =	vadd.s32 s13, v0;
	v30 =	vld.idx.msk [tilespmem:v26+s14+$0x0], $0xffff  }
0x5b: {  	v31 =	vadd.s32 s11, v0;
	v29 =	vand.u32 $0xFF, v29;
	v27 =	vor.u32 v16, v27;
	v32 =	vld.idx.msk [tilespmem:v26+s12+$0x0], $0xffff  }
0x5c: {  	v31 =	vand.u32 $0xFF, v31;
	v33 =	vor.u32 v16, v29;
	v26 =	vld.idx.msk [tilespmem:v26+s10+$0x0], $0xffff  }
0x5d: {  	v35 =	vor.u32 v22, v31;
	v34 =	vld.idx.msk [tilespmem:v25+s14+$0x0], $0xffff  }
0x5e: {  	v36 =	vld.idx.msk [tilespmem:v28+s14+$0x0], $0xffff  }
0x5f: {  	v37 =	vld.idx.msk [tilespmem:v25+s10+$0x0], $0xffff  }
0x60: {  	v38 =	vld.idx.msk [tilespmem:v27+s14+$0x0], $0xffff  }
0x61: {  	v29 =	vor.u32 v22, v29;
	v39 =	vld.idx.msk [tilespmem:v33+s10+$0x0], $0xffff  }
0x62: {  	v31 =	vor.u32 v16, v31;
	v40 =	vld.idx.msk [tilespmem:v35+s10+$0x0], $0xffff  }
0x63: {  	v41 =	vld.idx.msk [tilespmem:v35+s12+$0x0], $0xffff  }
0x64: {  	v25 =	vld.idx.msk [tilespmem:v25+s12+$0x0], $0xffff  }
0x65: {  	v35 =	vld.idx.msk [tilespmem:v35+s14+$0x0], $0xffff  }
0x66: {  	v42 =	vld.idx.msk [tilespmem:v29+s14+$0x0], $0xffff  }
0x67: {  	s15 =	simm.s32 $0x5;
	v44 =	vld.idx.msk [tilespmem:v31+s10+$0x0], $0xffff  }
0x68: {  	v62 =	vadd.s32 s15, v0;
	s13 =	simm.s32 $0x7;
	s15 =	simm.s32 $0x6;
	v45 =	vld.idx.msk [tilespmem:v27+s10+$0x0], $0xffff  }
0x69: {  	v52 =	vadd.s32 s13, v0;
	v54 =	vadd.s32 s15, v0;
	v60 =	vld.idx.msk [tilespmem:v28+s12+$0x0], $0xffff  }
0x6a: {  	v52 =	vand.u32 $0xFF, v52;
	v63 =	vld.idx.msk [tilespmem:v27+s12+$0x0], $0xffff;
	v43 =	vadd.bf16 v30, v32;
	v26 =	vadd.bf16 v26, v26  }
0x6b: {  	v58 =	vor.u32 v22, v52;
	v48 =	vld.idx.msk [tilespmem:v33+s12+$0x0], $0xffff;
	v30 =	vsub.bf16 v32, v30;
	v37 =	vadd.bf16 v37, v37  }
0x6c: {  	v27 =	vand.u32 $0xFF, v62;
	v28 =	vld.idx.msk [tilespmem:v28+s10+$0x0], $0xffff;
	v40 =	vadd.bf16 v40, v40;
	v46 =	vadd.bf16 v34, v25  }
0x6d: {  	v33 =	vld.idx.msk [tilespmem:v33+s14+$0x0], $0xffff;
	v47 =	vsub.bf16 v41, v35;
	v61 =	vadd.bf16 v35, v41;
	v35 =	vor.u32 v22, v27  }
0x6e: {  	v52 =	vor.u32 v16, v52;
	v25 =	vsub.bf16 v25, v34;
	v26 =	vsub.bf16 v43, v26;
	v43 =	vld.idx.msk [tilespmem:v29+s12+$0x0], $0xffff  }
0x6f: {  	v51 =	vor.u32 v16, v27;
	v39 =	vadd.bf16 v39, v39;
	v41 =	vadd.bf16 v45, v45;
	v29 =	vld.idx.msk [tilespmem:v29+s10+$0x0], $0xffff  }
0x70: {  	s11 =	simm.s32 $0x4;
	v49 =	vsub.bf16 v60, v36;
	v32 =	vadd.bf16 v36, v60;
	v26 =	vmul.bf16 v26, v30;
	v30 =	vld.idx.msk [tilespmem:v31+s12+$0x0], $0xffff  }
0x71: {  	v27 =	vadd.s32 s11, v0;
	v60 =	vsub.bf16 v63, v38;
	v44 =	vadd.bf16 v44, v44;
	v31 =	vld.idx.msk [tilespmem:v31+s14+$0x0], $0xffff  }
0x72: {  	v38 =	vadd.bf16 v38, v63;
	v45 =	vsub.bf16 v48, v33;
	v59 =	vand.u32 $0xFF, v27;
	v56 =	vld.idx.msk [tilespmem:v35+s14+$0x0], $0xffff  }
0x73: {  	v34 =	vsub.bf16 v61, v40;
	v27 =	vor.u32 v16, v59;
	v53 =	vor.u32 v22, v59;
	v61 =	vld.idx.msk [tilespmem:v35+s12+$0x0], $0xffff  }
0x74: {  	v59 =	vadd.bf16 v28, v28;
	v38 =	vsub.bf16 v38, v41;
	v35 =	vld.idx.msk [tilespmem:v35+s10+$0x0], $0xffff;
	v40 =	vunpack.i.l.bf16.f32 v26  }
0x75: {  	v50 =	vunpack.i.u.bf16.f32 v26;
	v26 =	vadd.bf16 v42, v43;
	v29 =	vadd.bf16 v29, v29  }
0x76: {  	v54 =	vand.u32 $0xFF, v54;
	v36 =	vld.idx.msk [tilespmem:v52+s10+$0x0], $0xffff;
	v32 =	vsub.bf16 v32, v59;
	v42 =	vsub.bf16 v43, v42  }
0x77: {  	v57 =	vld.idx.msk [tilespmem:v51+s14+$0x0], $0xffff;
	v59 =	vmul.bf16 v34, v47;
	v55 =	vsub.bf16 v26, v29;
	v26 =	vadd.bf16 v31, v30  }
0x78: {  	v63 =	vld.idx.msk [tilespmem:v51+s10+$0x0], $0xffff;
	v32 =	vmul.bf16 v32, v49;
	v30 =	vsub.bf16 v30, v31;
	v31 =	vadd.bf16 v33, v48  }
0x79: {  	v47 =	vld.idx.msk [tilespmem:v51+s12+$0x0], $0xffff;
	v29 =	vor.u32 v16, v54;
	v48 =	vadd.bf16 v56, v61;
	v35 =	vadd.bf16 v35, v35  }
0x7a: {  	v28 =	vld.idx.msk [tilespmem:v53+s14+$0x0], $0xffff;
	v54 =	vor.u32 v22, v54;
	v62 =	vsub.bf16 v26, v44;
	v31 =	vsub.bf16 v31, v39  }
0x7b: {  	v43 =	vld.idx.msk [tilespmem:v58+s12+$0x0], $0xffff;
	v39 =	vmul.bf16 v55, v42;
	v55 =	vsub.bf16 v46, v37;
	v42 =	vmul.bf16 v38, v60  }
0x7c: {  	v33 =	vld.idx.msk [tilespmem:v52+s12+$0x0], $0xffff;
	v60 =	vsub.bf16 v61, v56;
	v61 =	vunpack.i.u.bf16.f32 v32;
	v32 =	vunpack.i.l.bf16.f32 v32  }
0x7d: {  	v26 =	vld.idx.msk [tilespmem:v27+s14+$0x0], $0xffff;
	v34 =	vsub.bf16 v48, v35;
	v32 =	vadd.f32 v32, v23;
	v30 =	vmul.bf16 v62, v30  }
0x7e: {  	v37 =	vld.idx.msk [tilespmem:v58+s10+$0x0], $0xffff;
	v31 =	vmul.bf16 v31, v45;
	v35 =	vmul.bf16 v55, v25;
	v25 =	vadd.bf16 v63, v63  }
0x7f: {  	v56 =	vld.idx.msk [tilespmem:v58+s14+$0x0], $0xffff;
	v62 =	vunpack.i.u.bf16.f32 v42;
	v58 =	vunpack.i.l.bf16.f32 v39;
	v63 =	vadd.f32 v61, v23  }
0x80: {  	v42 =	vunpack.i.l.bf16.f32 v42;
	v41 =	vld.idx.msk [tilespmem:v29+s10+$0x0], $0xffff;
	v38 =	vmul.bf16 v34, v60;
	v55 =	vadd.f32 v62, v23  }
0x81: {  	v34 =	vld.idx.msk [tilespmem:v54+s14+$0x0], $0xffff;
	v40 =	vadd.f32 v40, v32;
	v32 =	vadd.bf16 v57, v47;
	v62 =	vunpack.i.l.bf16.f32 v59  }
0x82: {  	v60 =	vld.idx.msk [tilespmem:v27+s10+$0x0], $0xffff;
	v48 =	vunpack.i.u.bf16.f32 v35;
	v46 =	vunpack.i.u.bf16.f32 v31;
	v45 =	vadd.f32 v50, v63  }
0x83: {  	v44 =	vld.idx.msk [tilespmem:v54+s12+$0x0], $0xffff;
	v49 =	vunpack.i.l.bf16.f32 v31;
	v31 =	vadd.f32 v42, v23;
	v51 =	vadd.f32 v48, v55  }
0x84: {  	v55 =	vunpack.i.l.bf16.f32 v35;
	v35 =	vld.idx.msk [tilespmem:v29+s12+$0x0], $0xffff;
	v61 =	vadd.bf16 v37, v37;
	v37 =	vsub.bf16 v43, v56  }
0x85: {  	v50 =	vunpack.i.u.bf16.f32 v30;
	v48 =	vld.idx.msk [tilespmem:v53+s12+$0x0], $0xffff;
	v63 =	vadd.f32 v58, v40;
	v56 =	vadd.bf16 v56, v43  }
0x86: {  	v40 =	vld.idx.msk [tilespmem:v52+s14+$0x0], $0xffff;
	v52 =	vunpack.i.u.bf16.f32 v39;
	v55 =	vadd.f32 v55, v31;
	v31 =	vsub.bf16 v47, v57  }
0x87: {  	v43 =	vld.idx.msk [tilespmem:v53+s10+$0x0], $0xffff;
	v47 =	vunpack.i.l.bf16.f32 v30;
	v30 =	vadd.f32 v62, v63;
	v42 =	vsub.bf16 v56, v61  }
0x88: {  	s9 =	simm.s32 $0x8;
	v53 =	vld.idx.msk [tilespmem:v54+s10+$0x0], $0xffff;
	v54 =	vunpack.i.u.bf16.f32 v59;
	v39 =	vadd.bf16 v41, v41;
	v41 =	vadd.bf16 v60, v60  }
.LBB2_3:
0x89: {  	s11 =	sadd.s32 $0x1, s9  }
0x8a: {  	p0 =	slt.u32 s9, $0xFC;
	v56 =	vld.idx.msk [tilespmem:v27+s12+$0x0], $0xffff;
	v57 =	vunpack.i.l.bf16.f32 v38;
	v49 =	vadd.f32 v49, v55;
	v27 =	vadd.f32 v46, v51;
	s13 =	smov.u32 s9;
	s9 =	sadd.s32 $0x4, s9  }
0x8b: {  	v51 =	vsub.bf16 v48, v28;
	v55 =	vunpack.i.u.bf16.f32 v38;
	v46 =	vadd.s32 s11, v0  }
0x8c: {  	v38 =	vand.u32 $0xFF, v46;
	v46 =	vadd.bf16 v34, v44;
	v50 =	vadd.f32 v50, v27  }
0x8d: {  	s11 =	sadd.s32 $0x3, s13;
	v27 =	vadd.f32 v52, v45;
	v58 =	vor.u32 v16, v38;
	v38 =	vor.u32 v22, v38  }
0x8e: {  	v48 =	vadd.bf16 v28, v48;
	v45 =	vadd.s32 s13, v0;
	v52 =	vadd.s32 s11, v0;
	v59 =	vld.idx.msk [tilespmem:v29+s14+$0x0], $0xffff  }
0x8f: {  	v28 =	vand.u32 $0xFF, v45;
	v29 =	vadd.bf16 v53, v53;
	v45 =	vadd.f32 v54, v27  }
0x90: {  	s11 =	sadd.s32 $0x2, s13;
	v27 =	vor.u32 v16, v28;
	v53 =	vor.u32 v22, v28;
	v54 =	vsub.bf16 v56, v26  }
0x91: {  	v60 =	vadd.bf16 v40, v33;
	v28 =	vadd.s32 s11, v0;
	v46 =	vsub.bf16 v46, v29  }
0x92: {  	v34 =	vsub.bf16 v44, v34;
	v52 =	vand.u32 $0xFF, v52;
	v28 =	vand.u32 $0xFF, v28;
	v61 =	vld.idx.msk [tilespmem:v38+s14+$0x0], $0xffff  }
0x93: {  	v36 =	vadd.bf16 v36, v36;
	v47 =	vadd.f32 v47, v49;
	v62 =	vor.u32 v22, v28;
	v44 =	vld.idx.msk [tilespmem:v38+s12+$0x0], $0xffff  }
0x94: {  	v26 =	vadd.bf16 v26, v56;
	v29 =	vor.u32 v16, v28;
	v49 =	vsub.bf16 v35, v59;
	v38 =	vld.idx.msk [tilespmem:v38+s10+$0x0], $0xffff  }
0x95: {  	v33 =	vsub.bf16 v33, v40;
	v43 =	vadd.bf16 v43, v43;
	v63 =	vor.u32 v22, v52;
	v56 =	vld.idx.msk [tilespmem:v58+s14+$0x0], $0xffff  }
0x96: {  	v40 =	vor.u32 v16, v52;
	v36 =	vsub.bf16 v60, v36;
	v35 =	vadd.bf16 v59, v35;
	v28 =	vld.idx.msk [tilespmem:v53+s14+$0x0], $0xffff  }
0x97: {  	v43 =	vsub.bf16 v48, v43;
	v41 =	vsub.bf16 v26, v41;
	v59 =	vmul.bf16 v42, v37;
	v52 =	vld.idx.msk [tilespmem:v58+s10+$0x0], $0xffff  }
0x98: {  	v42 =	vmul.bf16 v36, v33;
	v35 =	vsub.bf16 v35, v39;
	v39 =	vmul.bf16 v46, v34;
	v26 =	vld.idx.msk [tilespmem:v27+s14+$0x0], $0xffff  }
0x99: {  	v25 =	vsub.bf16 v32, v25;
	v34 =	vmul.bf16 v43, v51;
	v33 =	vadd.bf16 v61, v44;
	v60 =	vld.idx.msk [tilespmem:v29+s10+$0x0], $0xffff  }
0x9a: {  	v41 =	vmul.bf16 v41, v54;
	v32 =	vadd.bf16 v38, v38;
	v37 =	vld.idx.msk [tilespmem:v63+s10+$0x0], $0xffff  }
0x9b: {  	v35 =	vmul.bf16 v35, v49;
	v36 =	vsub.bf16 v44, v61;
	v44 =	vunpack.i.u.bf16.f32 v34;
	v43 =	vld.idx.msk [tilespmem:v63+s12+$0x0], $0xffff  }
0x9c: {  	v31 =	vmul.bf16 v25, v31;
	v32 =	vsub.bf16 v33, v32;
	v33 =	vunpack.i.l.bf16.f32 v34;
	v54 =	vld.idx.msk [tilespmem:v58+s12+$0x0], $0xffff  }
0x9d: {  	v46 =	vunpack.i.u.bf16.f32 v41;
	v25 =	vadd.bf16 v52, v52;
	v58 =	vunpack.i.l.bf16.f32 v39;
	v52 =	vld.idx.msk [tilespmem:v63+s14+$0x0], $0xffff  }
0x9e: {  	v38 =	vmul.bf16 v32, v36;
	v32 =	vadd.f32 v44, v45;
	v44 =	vunpack.i.u.bf16.f32 v31;
	v34 =	vld.idx.msk [tilespmem:v62+s14+$0x0], $0xffff  }
0x9f: {  	v48 =	vadd.f32 v46, v50;
	v46 =	vunpack.i.u.bf16.f32 v35;
	v30 =	vadd.f32 v33, v30;
	v36 =	vld.idx.msk [tilespmem:v40+s10+$0x0], $0xffff  }
0xa0: {  	v41 =	vunpack.i.l.bf16.f32 v41;
	v49 =	vunpack.i.l.bf16.f32 v35;
	v45 =	vadd.f32 v55, v32;
	v33 =	vld.idx.msk [tilespmem:v40+s12+$0x0], $0xffff  }
0xa1: {  	v41 =	vadd.f32 v41, v47;
	v31 =	vunpack.i.l.bf16.f32 v31;
	v51 =	vadd.f32 v44, v48;
	v61 =	vld.idx.msk [tilespmem:v27+s10+$0x0], $0xffff  }
0xa2: {  	v50 =	vunpack.i.u.bf16.f32 v42;
	v30 =	vadd.f32 v57, v30;
	v63 =	vadd.bf16 v37, v37;
	v35 =	vld.idx.msk [tilespmem:v29+s12+$0x0], $0xffff  }
.Ltmp2:
0xa3: {  	v57 =	vunpack.i.l.bf16.f32 v59;
	v32 =	vadd.bf16 v56, v54;
	v37 =	vsub.bf16 v43, v52;
	v48 =	vld.idx.msk [tilespmem:v53+s12+$0x0], $0xffff;
	(pc) =	sbr.rel @p0 .LBB2_3-.Ltmp2, $4  }
0xa4: {  	v55 =	vadd.f32 v31, v41;
	v30 =	vadd.f32 v58, v30;
	v44 =	vld.idx.msk [tilespmem:v62+s12+$0x0], $0xffff  }
0xa5: {  	v31 =	vsub.bf16 v54, v56;
	v54 =	vadd.bf16 v52, v43;
	v52 =	vunpack.i.u.bf16.f32 v39;
	v40 =	vld.idx.msk [tilespmem:v40+s14+$0x0], $0xffff  }
0xa6: {  	v47 =	vunpack.i.l.bf16.f32 v42;
	v39 =	vadd.bf16 v60, v60;
	v30 =	vadd.f32 v57, v30;
	v43 =	vld.idx.msk [tilespmem:v53+s10+$0x0], $0xffff  }
0xa7: {  	v42 =	vsub.bf16 v54, v63;
	v54 =	vunpack.i.u.bf16.f32 v59;
	v41 =	vadd.bf16 v61, v61;
	v53 =	vld.idx.msk [tilespmem:v62+s10+$0x0], $0xffff  }
0xa8: {  	s9 =	smul.u32 $0x60, s0  }
0xa9: {  	p0 =	seq.s32 s0, $0x41  }
0xaa: {  	v56 =	vlaneseq.u32 @!p0;
	s11 =	sadd.s32 @!p0 $0x60, s9  }
0xab: {  	v57 =	vor.u32 @!p0 s11, v56  }
0xac: {  	vm0 =	vlt.s32 @!p0 v57, $0x186F  }
0xad: {  	v57 =	vnsel @!p0 vm0, $0x186F, v57  }
0xae: {  	v57 =	vshll.u32 @!p0 v57, $0x3;
	_ =	sdelay $0x1  }
0xaf: {  	v56 =	vor.u32 @!p0 $0x10, v56  }
0xb0: {  	v56 =	vor.u32 @!p0 s11, v56  }
0xb1: {  	s11 =	simm.s32 @!p0 $0x0;
	vm0 =	vlt.s32 @!p0 v56, $0x186F  }
0xb2: {  	v56 =	vnsel @!p0 vm0, $0x186F, v56;
	v58 =	vld.idx.msk @!p0 [tilespmem:v57+s11+$0x0], $0xffff  }
0xb3: {  	v56 =	vshll.u32 @!p0 v56, $0x3;
	_ =	sdelay $0x2  }
0xb4: {  	v27 =	vld.idx.msk [tilespmem:v27+s12+$0x0], $0xffff  }
0xb5: {  	v29 =	vld.idx.msk [tilespmem:v29+s14+$0x0], $0xffff;
	[tilespmem:$0xC380] =	vst @!p0 v58  }
0xb6: {  	v58 =	vld.idx.msk @!p0 [tilespmem:v56+s11+$0x0], $0xffff  }
0xb7: {  	v59 =	vor.u32 @!p0 $0x1, v57;
	_ =	sdelay $0x3  }
0xb8: {  	[tilespmem:$0xC390] =	vst @!p0 v58  }
0xb9: {  	v58 =	vld.idx.msk @!p0 [tilespmem:v59+s11+$0x0], $0xffff  }
0xba: {  	v59 =	vor.u32 @!p0 $0x1, v56;
	_ =	sdelay $0x3  }
0xbb: {  	[tilespmem:$0xC3A0] =	vst @!p0 v58  }
0xbc: {  	v58 =	vld.idx.msk @!p0 [tilespmem:v59+s11+$0x0], $0xffff  }
0xbd: {  	v57 =	vor.u32 @!p0 $0x2, v57;
	_ =	sdelay $0x3  }
0xbe: {  	[tilespmem:$0xC3B0] =	vst @!p0 v58  }
0xbf: {  	v57 =	vld.idx.msk @!p0 [tilespmem:v57+s11+$0x0], $0xffff  }
0xc0: {  	v56 =	vor.u32 @!p0 $0x2, v56;
	_ =	sdelay $0x2  }
0xc1: {  	v49 =	vadd.f32 v49, v55;
	v46 =	vadd.f32 v46, v51  }
0xc2: {  	v51 =	vsub.bf16 v48, v28;
	v45 =	vadd.f32 v52, v45;
	[tilespmem:$0xC3C0] =	vst @!p0 v57  }
0xc3: {  	v28 =	vadd.bf16 v28, v48;
	v46 =	vadd.f32 v50, v46;
	v50 =	vld.idx.msk @!p0 [tilespmem:v56+s11+$0x0], $0xffff  }
0xc4: {  	v36 =	vadd.bf16 v36, v36;
	v43 =	vadd.bf16 v43, v43  }
0xc5: {  	v25 =	vsub.bf16 v32, v25;
	v63 =	vadd.bf16 v34, v44  }
0xc6: {  	v60 =	vsub.bf16 v44, v34;
	v28 =	vsub.bf16 v28, v43  }
0xc7: {  	v62 =	vunpack.i.l.bf16.f32 v38;
	v45 =	vadd.f32 v54, v45;
	v61 =	vadd.f32 v47, v49  }
0xc8: {  	s13 =	simm.s32 @!p0 $0xC380;
	s15 =	simm.s32 @!p0 $0xC4A0;
	v28 =	vmul.bf16 v28, v51;
	v58 =	vsub.bf16 v27, v26;
	v26 =	vadd.bf16 v26, v27;
	s11 =	simm.s32 @!p0 $0x20;
	[tilespmem:$0xC3D0] =	vst @!p0 v50  }
0xc9: {  	v25 =	vmul.bf16 v25, v31;
	v27 =	vsub.bf16 v35, v29;
	v29 =	vadd.bf16 v29, v35;
	[tilespmem:s15], [sflag:$0x1] =	stream.indirect.gather @!p0 [hbm4b:s3+s11], $0x100, s13, s11, $0xb8;
	[tilespmem:$0x1E4B0] =	vst v63  }
0xca: {  	v51 =	vunpack.i.u.bf16.f32 v28;
	v28 =	vunpack.i.l.bf16.f32 v28;
	v26 =	vsub.bf16 v26, v41;
	s13 =	simm.s32 @!p0 $0xC3A0;
	s15 =	simm.s32 @!p0 $0xE4A0  }
0xcb: {  	v49 =	vmul.bf16 v42, v37;
	v28 =	vadd.f32 v28, v30;
	v29 =	vsub.bf16 v29, v39;
	[tilespmem:s15], [sflag:$0x1] =	stream.indirect.gather @!p0 [hbm4b:s3+s11], $0x100, s13, s11, $0xb8;
	[tilespmem:$0x1E4B0] =	vst v63  }
0xcc: {  	v52 =	vunpack.i.u.bf16.f32 v25;
	v59 =	vadd.bf16 v40, v33;
	v26 =	vmul.bf16 v26, v58;
	s13 =	simm.s32 @!p0 $0xC3C0;
	s15 =	simm.s32 @!p0 $0x104A0  }
0xcd: {  	v25 =	vunpack.i.l.bf16.f32 v25;
	v28 =	vadd.f32 v62, v28;
	v27 =	vmul.bf16 v29, v27;
	[tilespmem:s15], [sflag:$0x1] =	stream.indirect.gather @!p0 [hbm4b:s3+s11], $0x100, s13, s11, $0xb8;
	[tilespmem:$0x1E4B0] =	vst v63  }
0xce: {  	v43 =	vsub.bf16 v59, v36;
	v57 =	vadd.bf16 v53, v53;
	v29 =	vunpack.i.u.bf16.f32 v26;
	_ =	swait.ge [sflag:s29], $0x2000  }
0xcf: {  	v30 =	vunpack.i.u.bf16.f32 v27;
	v26 =	vunpack.i.l.bf16.f32 v26;
	v27 =	vunpack.i.l.bf16.f32 v27;
	s13 =	simm.s32 $0x1;
	[sflag:s29] =	ssyncset.done $0x0  }
0xd0: {  	v29 =	vadd.f32 v29, v46;
	v26 =	vadd.f32 v26, v61;
	v53 =	vadd.s32 s13, v0;
	[sflag:s29] =	ssyncadd.s32 $0xFFFFE000  }
0xd1: {  	v48 =	vsub.bf16 v63, v57;
	v63 =	vsub.bf16 v33, v40;
	v37 =	vand.u32 $0xFF, v53;
	_ =	swait.ge [sflag:s29], $0x2000  }
0xd2: {  	v33 =	vadd.f32 v51, v45;
	v29 =	vadd.f32 v52, v29;
	v54 =	vor.u32 v22, v37;
	[sflag:s29] =	ssyncset.done $0x0  }
0xd3: {  	v40 =	vunpack.i.u.bf16.f32 v38;
	v25 =	vadd.f32 v25, v26;
	v34 =	vmul.bf16 v48, v60;
	s15 =	simm.s32 $0x0;
	[sflag:s29] =	ssyncadd.s32 $0xFFFFE000  }
0xd4: {  	v33 =	vadd.f32 v40, v33;
	v29 =	vadd.f32 v30, v29;
	v55 =	vadd.s32 s15, v0;
	_ =	swait.ge [sflag:s29], $0x2000  }
0xd5: {  	v31 =	vunpack.i.l.bf16.f32 v34;
	v35 =	vand.u32 $0xFF, v55;
	v37 =	vor.u32 v16, v37;
	[sflag:s29] =	ssyncset.done $0x0  }
0xd6: {  	v50 =	vmul.bf16 v43, v63;
	v26 =	vadd.f32 v31, v28;
	s15 =	simm.s32 $0x3;
	v28 =	vor.u32 v22, v35;
	[sflag:s29] =	ssyncadd.s32 $0xFFFFE000  }
0xd7: {  	v25 =	vadd.f32 v27, v25;
	v31 =	vunpack.i.u.bf16.f32 v34;
	v58 =	vadd.s32 s15, v0;
	v57 =	vld.idx.msk [tilespmem:v54+s20+$0x0], $0xffff  }
0xd8: {  	v56 =	vunpack.i.u.bf16.f32 v50;
	v35 =	vor.u32 v16, v35;
	v27 =	vand.u32 $0xFF, v58;
	v59 =	vld.idx.msk [tilespmem:v54+s18+$0x0], $0xffff  }
0xd9: {  	v32 =	vunpack.i.l.bf16.f32 v50;
	v31 =	vadd.f32 v31, v33;
	v61 =	vor.u32 v22, v27;
	v38 =	vld.idx.msk [tilespmem:v54+s16+$0x0], $0xffff  }
0xda: {  	v62 =	vunpack.i.l.bf16.f32 v49;
	v29 =	vadd.f32 v56, v29;
	v25 =	vadd.f32 v32, v25;
	s13 =	simm.s32 $0x2;
	v60 =	vld.idx.msk [tilespmem:v37+s20+$0x0], $0xffff  }
0xdb: {  	v52 =	vunpack.i.u.bf16.f32 v49;
	v26 =	vadd.f32 v62, v26;
	v30 =	vadd.s32 s13, v0;
	v63 =	vld.idx.msk [tilespmem:v28+s20+$0x0], $0xffff  }
0xdc: {  	v31 =	vadd.f32 v52, v31;
	v25 =	vadd.f32 v29, v25;
	v30 =	vand.u32 $0xFF, v30;
	v53 =	vld.idx.msk [tilespmem:v37+s16+$0x0], $0xffff  }
0xdd: {  	v40 =	vor.u32 v16, v30;
	v33 =	vld.idx.msk [tilespmem:v35+s20+$0x0], $0xffff  }
0xde: {  	v26 =	vadd.f32 v31, v26;
	v25 =	vadd.f32 $1.000000000e+00, v25;
	v27 =	vor.u32 v16, v27;
	v31 =	vld.idx.msk [tilespmem:v61+s16+$0x0], $0xffff  }
0xdf: {  	v29 =	vor.u32 v22, v30;
	v54 =	vmov s9;
	v55 =	vld.idx.msk [tilespmem:v61+s18+$0x0], $0xffff  }
0xe0: {  	v26 =	vadd.f32 $1.000000000e+00, v26;
	v25 =	vmax.f32 v25, $0.0e+00;
	v37 =	vld.idx.msk [tilespmem:v37+s18+$0x0], $0xffff;
	vm14 =	vlt.u32 v54, v2  }
0xe1: {  	v42 =	vld.idx.msk [tilespmem:v61+s20+$0x0], $0xffff;
	v25 =	vnsel vm14, $0x0, v25  }
0xe2: {  	v26 =	vmax.f32 v26, $0.0e+00;
	v30 =	vld.idx.msk [tilespmem:v40+s16+$0x0], $0xffff;
	vm15 =	vlt.u32 v54, v3;
	v24 =	vadd.f32 v25, v24  }
0xe3: {  	v45 =	vld.idx.msk [tilespmem:v27+s16+$0x0], $0xffff;
	v26 =	vnsel vm15, $0x0, v26;
	v56 =	vadd.bf16 v57, v59;
	v38 =	vadd.bf16 v38, v38  }
0xe4: {  	v46 =	vld.idx.msk [tilespmem:v29+s18+$0x0], $0xffff;
	v24 =	vadd.f32 v26, v24;
	v34 =	vsub.bf16 v59, v57  }
0xe5: {  	v25 =	vld.idx.msk [tilespmem:v29+s20+$0x0], $0xffff;
	v36 =	vadd.bf16 v53, v53;
	v31 =	vadd.bf16 v31, v31  }
0xe6: {  	v29 =	vld.idx.msk [tilespmem:v29+s16+$0x0], $0xffff;
	v47 =	vadd.bf16 v60, v37;
	v48 =	vsub.bf16 v55, v42  }
0xe7: {  	v43 =	vimm.f32 $0.0e+00;
	s15 =	simm.s32 $0x5;
	v50 =	vld.idx.msk [tilespmem:v40+s18+$0x0], $0xffff;
	v37 =	vsub.bf16 v37, v60;
	v58 =	vadd.bf16 v42, v55  }
0xe8: {  	v26 =	vld.idx.msk [tilespmem:v35+s16+$0x0], $0xffff;
	v59 =	vadd.s32 s15, v0;
	v30 =	vadd.bf16 v30, v30;
	s15 =	simm.s32 $0x7;
	v45 =	vadd.bf16 v45, v45  }
0xe9: {  	v57 =	vld.idx.msk [tilespmem:v28+s18+$0x0], $0xffff;
	v42 =	vand.u32 $0xFF, v59;
	v61 =	vadd.s32 s15, v0;
	v38 =	vsub.bf16 v56, v38  }
0xea: {  	v35 =	vld.idx.msk [tilespmem:v35+s18+$0x0], $0xffff;
	v31 =	vsub.bf16 v58, v31;
	v49 =	vor.u32 v22, v42;
	v42 =	vor.u32 v16, v42  }
0xeb: {  	v40 =	vld.idx.msk [tilespmem:v40+s20+$0x0], $0xffff;
	v53 =	vand.u32 $0xFF, v61;
	v60 =	vadd.bf16 v25, v46;
	v29 =	vadd.bf16 v29, v29  }
0xec: {  	s13 =	simm.s32 $0x4;
	v44 =	vld.idx.msk [tilespmem:v27+s20+$0x0], $0xffff;
	v25 =	vsub.bf16 v46, v25;
	v59 =	vor.u32 v22, v53;
	v53 =	vor.u32 v16, v53  }
0xed: {  	v34 =	vmul.bf16 v38, v34;
	v38 =	vld.idx.msk [tilespmem:v27+s18+$0x0], $0xffff;
	v27 =	vadd.s32 s13, v0;
	v26 =	vadd.bf16 v26, v26  }
0xee: {  	v28 =	vld.idx.msk [tilespmem:v28+s16+$0x0], $0xffff;
	s15 =	simm.s32 $0x6;
	v51 =	vsub.bf16 v57, v63;
	v32 =	vadd.bf16 v63, v57;
	v62 =	vand.u32 $0xFF, v27  }
0xef: {  	v54 =	vsub.bf16 v35, v33;
	v63 =	vadd.s32 s15, v0;
	v33 =	vadd.bf16 v33, v35;
	v57 =	vld.idx.msk [tilespmem:v49+s20+$0x0], $0xffff  }
0xf0: {  	v35 =	vsub.bf16 v50, v40;
	v40 =	vadd.bf16 v40, v50;
	v39 =	vunpack.i.l.bf16.f32 v34;
	v46 =	vld.idx.msk [tilespmem:v49+s18+$0x0], $0xffff  }
0xf1: {  	v52 =	vunpack.i.u.bf16.f32 v34;
	v27 =	vor.u32 v16, v62;
	v41 =	vor.u32 v22, v62;
	v49 =	vld.idx.msk [tilespmem:v49+s16+$0x0], $0xffff  }
0xf2: {  	v34 =	vsub.bf16 v60, v29;
	v55 =	vand.u32 $0xFF, v63;
	v58 =	vld.idx.msk [tilespmem:v42+s20+$0x0], $0xffff;
	v33 =	vsub.bf16 v33, v26  }
0xf3: {  	v60 =	vadd.bf16 v28, v28;
	v29 =	vor.u32 v16, v55;
	v30 =	vsub.bf16 v40, v30;
	v40 =	vld.idx.msk [tilespmem:v59+s16+$0x0], $0xffff  }
0xf4: {  	v56 =	vadd.bf16 v44, v38;
	v38 =	vsub.bf16 v38, v44;
	v44 =	vmul.bf16 v33, v54;
	v54 =	vld.idx.msk [tilespmem:v59+s20+$0x0], $0xffff  }
0xf5: {  	v61 =	vor.u32 v22, v55;
	v32 =	vsub.bf16 v32, v60;
	v60 =	vmul.bf16 v34, v25;
	v33 =	vld.idx.msk [tilespmem:v53+s18+$0x0], $0xffff  }
0xf6: {  	v30 =	vmul.bf16 v30, v35;
	v28 =	vld.idx.msk [tilespmem:v41+s20+$0x0], $0xffff;
	v50 =	vsub.bf16 v56, v45;
	v56 =	vmul.bf16 v31, v48  }
0xf7: {  	v45 =	vld.idx.msk [tilespmem:v42+s16+$0x0], $0xffff;
	v31 =	vmul.bf16 v32, v51;
	v48 =	vsub.bf16 v47, v36;
	v25 =	vadd.bf16 v57, v46  }
0xf8: {  	v26 =	vld.idx.msk [tilespmem:v27+s20+$0x0], $0xffff;
	v49 =	vadd.bf16 v49, v49;
	v63 =	vmul.bf16 v50, v38;
	v50 =	vsub.bf16 v46, v57  }
0xf9: {  	v47 =	vld.idx.msk [tilespmem:v59+s18+$0x0], $0xffff;
	v51 =	vunpack.i.u.bf16.f32 v31;
	v31 =	vunpack.i.l.bf16.f32 v31;
	v32 =	vmul.bf16 v48, v37  }
0xfa: {  	v42 =	vld.idx.msk [tilespmem:v42+s18+$0x0], $0xffff;
	v46 =	vunpack.i.u.bf16.f32 v44;
	v57 =	vunpack.i.l.bf16.f32 v60;
	v4 =	vadd.bf16 v40, v40  }
0xfb: {  	v36 =	vld.idx.msk [tilespmem:v53+s16+$0x0], $0xffff;
	v44 =	vunpack.i.l.bf16.f32 v44;
	v34 =	vsub.bf16 v25, v49;
	v59 =	vadd.f32 v51, v43  }
0xfc: {  	v62 =	vld.idx.msk [tilespmem:v29+s16+$0x0], $0xffff;
	v5 =	vunpack.i.l.bf16.f32 v56;
	v35 =	vadd.f32 v46, v43;
	v31 =	vadd.f32 v31, v43  }
0xfd: {  	v48 =	vld.idx.msk [tilespmem:v41+s18+$0x0], $0xffff;
	v46 =	vunpack.i.u.bf16.f32 v30;
	v49 =	vunpack.i.l.bf16.f32 v30;
	v30 =	vadd.f32 v44, v43  }
0xfe: {  	v40 =	vld.idx.msk [tilespmem:v53+s20+$0x0], $0xffff;
	v55 =	vunpack.i.u.bf16.f32 v32;
	v25 =	vadd.bf16 v45, v45;
	v45 =	vadd.f32 v52, v59  }
0xff: {  	v38 =	vmul.bf16 v34, v50;
	v59 =	vld.idx.msk [tilespmem:v27+s16+$0x0], $0xffff;
	v51 =	vadd.f32 v55, v35;
	v31 =	vadd.f32 v39, v31  }
0x100: {  	v53 =	vld.idx.msk [tilespmem:v61+s16+$0x0], $0xffff;
	v55 =	vunpack.i.l.bf16.f32 v32;
	v32 =	vadd.bf16 v58, v42;
	v37 =	vsub.bf16 v47, v54  }
0x101: {  	v44 =	vld.idx.msk [tilespmem:v61+s18+$0x0], $0xffff;
	v50 =	vunpack.i.u.bf16.f32 v63;
	v55 =	vadd.f32 v55, v30;
	v30 =	vadd.f32 v57, v31  }
0x102: {  	v43 =	vld.idx.msk [tilespmem:v41+s16+$0x0], $0xffff;
	v52 =	vunpack.i.u.bf16.f32 v60;
	v31 =	vsub.bf16 v42, v58;
	v58 =	vadd.bf16 v54, v47  }
0x103: {  	v34 =	vld.idx.msk [tilespmem:v61+s20+$0x0], $0xffff;
	v39 =	vadd.bf16 v62, v62;
	v47 =	vunpack.i.l.bf16.f32 v63;
	v30 =	vadd.f32 v5, v30  }
0x104: {  	s11 =	simm.s32 $0x8;
	v35 =	vld.idx.msk [tilespmem:v29+s18+$0x0], $0xffff;
	v54 =	vunpack.i.u.bf16.f32 v56;
	v42 =	vsub.bf16 v58, v4;
	v41 =	vadd.bf16 v59, v59  }
.LBB2_5:
0x105: {  	s13 =	sadd.s32 $0x1, s11  }
0x106: {  	p1 =	slt.u32 s11, $0xFC;
	v4 =	vld.idx.msk [tilespmem:v27+s18+$0x0], $0xffff;
	v5 =	vunpack.i.l.bf16.f32 v38;
	v49 =	vadd.f32 v49, v55;
	v27 =	vadd.f32 v46, v51;
	s15 =	smov.u32 s11;
	s11 =	sadd.s32 $0x4, s11  }
0x107: {  	v51 =	vsub.bf16 v48, v28;
	v55 =	vunpack.i.u.bf16.f32 v38;
	v46 =	vadd.s32 s13, v0  }
0x108: {  	v38 =	vand.u32 $0xFF, v46;
	v46 =	vadd.bf16 v34, v44;
	v50 =	vadd.f32 v50, v27  }
0x109: {  	s13 =	sadd.s32 $0x3, s15;
	v27 =	vadd.f32 v52, v45;
	v56 =	vor.u32 v16, v38;
	v38 =	vor.u32 v22, v38  }
0x10a: {  	v48 =	vadd.bf16 v28, v48;
	v45 =	vadd.s32 s15, v0;
	v52 =	vadd.s32 s13, v0;
	v57 =	vld.idx.msk [tilespmem:v29+s20+$0x0], $0xffff  }
0x10b: {  	v28 =	vand.u32 $0xFF, v45;
	v29 =	vadd.bf16 v53, v53;
	v45 =	vadd.f32 v54, v27  }
0x10c: {  	s13 =	sadd.s32 $0x2, s15;
	v27 =	vor.u32 v16, v28;
	v53 =	vor.u32 v22, v28;
	v54 =	vsub.bf16 v4, v26  }
0x10d: {  	v58 =	vadd.bf16 v40, v33;
	v28 =	vadd.s32 s13, v0;
	v46 =	vsub.bf16 v46, v29  }
0x10e: {  	v34 =	vsub.bf16 v44, v34;
	v52 =	vand.u32 $0xFF, v52;
	v28 =	vand.u32 $0xFF, v28;
	v59 =	vld.idx.msk [tilespmem:v38+s20+$0x0], $0xffff  }
0x10f: {  	v36 =	vadd.bf16 v36, v36;
	v47 =	vadd.f32 v47, v49;
	v60 =	vor.u32 v22, v28;
	v44 =	vld.idx.msk [tilespmem:v38+s18+$0x0], $0xffff  }
0x110: {  	v4 =	vadd.bf16 v26, v4;
	v29 =	vor.u32 v16, v28;
	v49 =	vsub.bf16 v35, v57;
	v38 =	vld.idx.msk [tilespmem:v38+s16+$0x0], $0xffff  }
0x111: {  	v33 =	vsub.bf16 v33, v40;
	v62 =	vor.u32 v22, v52;
	v26 =	vadd.bf16 v43, v43;
	v61 =	vld.idx.msk [tilespmem:v56+s20+$0x0], $0xffff  }
0x112: {  	v40 =	vor.u32 v16, v52;
	v36 =	vsub.bf16 v58, v36;
	v35 =	vadd.bf16 v57, v35;
	v28 =	vld.idx.msk [tilespmem:v53+s20+$0x0], $0xffff  }
0x113: {  	v4 =	vsub.bf16 v4, v41;
	v41 =	vsub.bf16 v48, v26;
	v57 =	vmul.bf16 v42, v37;
	v43 =	vld.idx.msk [tilespmem:v56+s16+$0x0], $0xffff  }
0x114: {  	v42 =	vmul.bf16 v36, v33;
	v35 =	vsub.bf16 v35, v39;
	v39 =	vmul.bf16 v46, v34;
	v26 =	vld.idx.msk [tilespmem:v27+s20+$0x0], $0xffff  }
0x115: {  	v25 =	vsub.bf16 v32, v25;
	v34 =	vmul.bf16 v41, v51;
	v33 =	vadd.bf16 v59, v44;
	v58 =	vld.idx.msk [tilespmem:v29+s16+$0x0], $0xffff  }
0x116: {  	v4 =	vmul.bf16 v4, v54;
	v32 =	vadd.bf16 v38, v38;
	v37 =	vld.idx.msk [tilespmem:v62+s16+$0x0], $0xffff  }
0x117: {  	v35 =	vmul.bf16 v35, v49;
	v36 =	vsub.bf16 v44, v59;
	v44 =	vunpack.i.u.bf16.f32 v34;
	v41 =	vld.idx.msk [tilespmem:v62+s18+$0x0], $0xffff  }
0x118: {  	v31 =	vmul.bf16 v25, v31;
	v32 =	vsub.bf16 v33, v32;
	v33 =	vunpack.i.l.bf16.f32 v34;
	v52 =	vld.idx.msk [tilespmem:v56+s18+$0x0], $0xffff  }
0x119: {  	v46 =	vunpack.i.u.bf16.f32 v4;
	v54 =	vunpack.i.l.bf16.f32 v39;
	v25 =	vadd.bf16 v43, v43;
	v43 =	vld.idx.msk [tilespmem:v62+s20+$0x0], $0xffff  }
0x11a: {  	v38 =	vmul.bf16 v32, v36;
	v32 =	vadd.f32 v44, v45;
	v44 =	vunpack.i.u.bf16.f32 v31;
	v34 =	vld.idx.msk [tilespmem:v60+s20+$0x0], $0xffff  }
0x11b: {  	v48 =	vadd.f32 v46, v50;
	v46 =	vunpack.i.u.bf16.f32 v35;
	v30 =	vadd.f32 v33, v30;
	v36 =	vld.idx.msk [tilespmem:v40+s16+$0x0], $0xffff  }
0x11c: {  	v4 =	vunpack.i.l.bf16.f32 v4;
	v49 =	vunpack.i.l.bf16.f32 v35;
	v45 =	vadd.f32 v55, v32;
	v33 =	vld.idx.msk [tilespmem:v40+s18+$0x0], $0xffff  }
0x11d: {  	v4 =	vadd.f32 v4, v47;
	v31 =	vunpack.i.l.bf16.f32 v31;
	v51 =	vadd.f32 v44, v48;
	v56 =	vld.idx.msk [tilespmem:v27+s16+$0x0], $0xffff  }
0x11e: {  	v50 =	vunpack.i.u.bf16.f32 v42;
	v5 =	vadd.f32 v5, v30;
	v59 =	vadd.bf16 v37, v37;
	v35 =	vld.idx.msk [tilespmem:v29+s18+$0x0], $0xffff  }
.Ltmp3:
0x11f: {  	v30 =	vunpack.i.l.bf16.f32 v57;
	v32 =	vadd.bf16 v61, v52;
	v37 =	vsub.bf16 v41, v43;
	v48 =	vld.idx.msk [tilespmem:v53+s18+$0x0], $0xffff;
	(pc) =	sbr.rel @p1 .LBB2_5-.Ltmp3, $4  }
0x120: {  	v55 =	vadd.f32 v31, v4;
	v4 =	vadd.f32 v54, v5;
	v44 =	vld.idx.msk [tilespmem:v60+s18+$0x0], $0xffff  }
0x121: {  	v31 =	vsub.bf16 v52, v61;
	v52 =	vunpack.i.u.bf16.f32 v39;
	v5 =	vadd.bf16 v43, v41;
	v40 =	vld.idx.msk [tilespmem:v40+s20+$0x0], $0xffff  }
0x122: {  	v47 =	vunpack.i.l.bf16.f32 v42;
	v39 =	vadd.bf16 v58, v58;
	v30 =	vadd.f32 v30, v4;
	v43 =	vld.idx.msk [tilespmem:v53+s16+$0x0], $0xffff  }
0x123: {  	v54 =	vunpack.i.u.bf16.f32 v57;
	v42 =	vsub.bf16 v5, v59;
	v41 =	vadd.bf16 v56, v56;
	v53 =	vld.idx.msk [tilespmem:v60+s16+$0x0], $0xffff  }
0x124: {  	s11 =	sadd.s32 @!p0 $0x80, s9;
	v4 =	vlaneseq.u32 @!p0  }
0x125: {  	v5 =	vor.u32 @!p0 s11, v4  }
0x126: {  	vm0 =	vlt.s32 @!p0 v5, $0x186F  }
0x127: {  	v5 =	vnsel @!p0 vm0, $0x186F, v5  }
0x128: {  	v5 =	vshll.u32 @!p0 v5, $0x3;
	_ =	sdelay $0x1  }
0x129: {  	v4 =	vor.u32 @!p0 $0x10, v4  }
0x12a: {  	v4 =	vor.u32 @!p0 s11, v4  }
0x12b: {  	s11 =	simm.s32 @!p0 $0x0;
	vm0 =	vlt.s32 @!p0 v4, $0x186F  }
0x12c: {  	v4 =	vnsel @!p0 vm0, $0x186F, v4;
	v56 =	vld.idx.msk @!p0 [tilespmem:v5+s11+$0x0], $0xffff  }
0x12d: {  	v4 =	vshll.u32 @!p0 v4, $0x3;
	_ =	sdelay $0x2  }
0x12e: {  	v27 =	vld.idx.msk [tilespmem:v27+s18+$0x0], $0xffff  }
0x12f: {  	v29 =	vld.idx.msk [tilespmem:v29+s20+$0x0], $0xffff;
	[tilespmem:$0xC3E0] =	vst @!p0 v56  }
0x130: {  	v56 =	vld.idx.msk @!p0 [tilespmem:v4+s11+$0x0], $0xffff  }
0x131: {  	v57 =	vor.u32 @!p0 $0x1, v5;
	_ =	sdelay $0x3  }
0x132: {  	[tilespmem:$0xC3F0] =	vst @!p0 v56  }
0x133: {  	v56 =	vld.idx.msk @!p0 [tilespmem:v57+s11+$0x0], $0xffff  }
0x134: {  	v57 =	vor.u32 @!p0 $0x1, v4;
	_ =	sdelay $0x3  }
0x135: {  	[tilespmem:$0xC400] =	vst @!p0 v56  }
0x136: {  	v56 =	vld.idx.msk @!p0 [tilespmem:v57+s11+$0x0], $0xffff  }
0x137: {  	v5 =	vor.u32 @!p0 $0x2, v5;
	_ =	sdelay $0x3  }
0x138: {  	[tilespmem:$0xC410] =	vst @!p0 v56  }
0x139: {  	v5 =	vld.idx.msk @!p0 [tilespmem:v5+s11+$0x0], $0xffff  }
0x13a: {  	v49 =	vadd.f32 v49, v55;
	v4 =	vor.u32 @!p0 $0x2, v4  }
0x13b: {  	v46 =	vadd.f32 v46, v51;
	v58 =	vsub.bf16 v48, v28  }
0x13c: {  	v45 =	vadd.f32 v52, v45;
	v36 =	vadd.bf16 v36, v36  }
0x13d: {  	v25 =	vsub.bf16 v32, v25;
	v59 =	vadd.bf16 v34, v44  }
0x13e: {  	v62 =	vsub.bf16 v44, v34;
	v46 =	vadd.f32 v50, v46;
	[tilespmem:$0xC420] =	vst @!p0 v5  }
0x13f: {  	v45 =	vadd.f32 v54, v45;
	v61 =	vadd.bf16 v40, v33;
	v4 =	vld.idx.msk @!p0 [tilespmem:v4+s11+$0x0], $0xffff  }
0x140: {  	v60 =	vsub.bf16 v27, v26;
	v26 =	vadd.bf16 v26, v27  }
0x141: {  	v63 =	vadd.f32 v47, v49;
	v27 =	vsub.bf16 v35, v29  }
0x142: {  	v29 =	vadd.bf16 v29, v35;
	v26 =	vsub.bf16 v26, v41  }
0x143: {  	v40 =	vsub.bf16 v33, v40;
	v47 =	vunpack.i.u.bf16.f32 v38;
	v49 =	vsub.bf16 v61, v36  }
0x144: {  	s13 =	simm.s32 @!p0 $0xC3E0;
	s15 =	simm.s32 @!p0 $0x124A0;
	v50 =	vmul.bf16 v42, v37;
	v29 =	vsub.bf16 v29, v39;
	v26 =	vmul.bf16 v26, v60;
	s11 =	simm.s32 @!p0 $0x20;
	[tilespmem:$0xC430] =	vst @!p0 v4  }
0x145: {  	v25 =	vmul.bf16 v25, v31;
	v43 =	vadd.bf16 v43, v43;
	v52 =	vmul.bf16 v49, v40;
	[tilespmem:s15], [sflag:$0x2] =	stream.indirect.gather @!p0 [hbm4b:s3+s11], $0x100, s13, s11, $0xb8;
	[tilespmem:$0x1E4B0] =	vst v63  }
0x146: {  	v27 =	vmul.bf16 v29, v27;
	v29 =	vunpack.i.u.bf16.f32 v26;
	v5 =	vadd.bf16 v28, v48;
	s13 =	simm.s32 @!p0 $0xC400;
	s15 =	simm.s32 @!p0 $0x144A0  }
0x147: {  	v26 =	vunpack.i.l.bf16.f32 v26;
	v29 =	vadd.f32 v29, v46;
	v28 =	vadd.bf16 v53, v53;
	[tilespmem:s15], [sflag:$0x2] =	stream.indirect.gather @!p0 [hbm4b:s3+s11], $0x100, s13, s11, $0xb8;
	[tilespmem:$0x1E4B0] =	vst v63  }
0x148: {  	v54 =	vunpack.i.u.bf16.f32 v25;
	v26 =	vadd.f32 v26, v63;
	v5 =	vsub.bf16 v5, v43;
	s13 =	simm.s32 @!p0 $0xC420;
	s15 =	simm.s32 @!p0 $0x164A0  }
0x149: {  	v25 =	vunpack.i.l.bf16.f32 v25;
	v32 =	vunpack.i.l.bf16.f32 v52;
	v28 =	vsub.bf16 v59, v28;
	[tilespmem:s15], [sflag:$0x2] =	stream.indirect.gather @!p0 [hbm4b:s3+s11], $0x100, s13, s11, $0xb8;
	[tilespmem:$0x1E4B0] =	vst v63  }
0x14a: {  	v29 =	vadd.f32 v54, v29;
	v25 =	vadd.f32 v25, v26;
	v5 =	vmul.bf16 v5, v58;
	_ =	swait.ge [sflag:s30], $0x2000  }
0x14b: {  	v57 =	vunpack.i.u.bf16.f32 v52;
	v28 =	vmul.bf16 v28, v62;
	v4 =	vunpack.i.l.bf16.f32 v38;
	s13 =	simm.s32 $0x1;
	[sflag:s30] =	ssyncset.done $0x0  }
0x14c: {  	v53 =	vunpack.i.u.bf16.f32 v5;
	v5 =	vunpack.i.l.bf16.f32 v5;
	v55 =	vadd.s32 s13, v0;
	[sflag:s30] =	ssyncadd.s32 $0xFFFFE000  }
0x14d: {  	v31 =	vunpack.i.l.bf16.f32 v28;
	v28 =	vunpack.i.u.bf16.f32 v28;
	v35 =	vand.u32 $0xFF, v55;
	_ =	swait.ge [sflag:s30], $0x2000  }
0x14e: {  	v5 =	vadd.f32 v5, v30;
	v30 =	vunpack.i.u.bf16.f32 v27;
	v56 =	vor.u32 v22, v35;
	[sflag:s30] =	ssyncset.done $0x0  }
0x14f: {  	v33 =	vadd.f32 v53, v45;
	v27 =	vunpack.i.l.bf16.f32 v27;
	v29 =	vadd.f32 v30, v29;
	s15 =	simm.s32 $0x0;
	[sflag:s30] =	ssyncadd.s32 $0xFFFFE000  }
0x150: {  	v25 =	vadd.f32 v27, v25;
	v4 =	vadd.f32 v4, v5;
	v5 =	vadd.s32 s15, v0;
	_ =	swait.ge [sflag:s30], $0x2000  }
0x151: {  	v33 =	vadd.f32 v47, v33;
	s13 =	simm.s32 $0x2;
	v5 =	vand.u32 $0xFF, v5;
	v35 =	vor.u32 v16, v35;
	[sflag:s30] =	ssyncset.done $0x0  }
0x152: {  	v29 =	vadd.f32 v57, v29;
	s15 =	simm.s32 $0x3;
	v30 =	vadd.s32 s13, v0;
	v26 =	vor.u32 v22, v5;
	[sflag:s30] =	ssyncadd.s32 $0xFFFFE000  }
0x153: {  	v4 =	vadd.f32 v31, v4;
	v58 =	vadd.s32 s15, v0;
	v30 =	vand.u32 $0xFF, v30;
	v31 =	vld.idx.msk [tilespmem:v56+s26+$0x0], $0xffff  }
0x154: {  	v25 =	vadd.f32 v32, v25;
	v27 =	vand.u32 $0xFF, v58;
	v38 =	vor.u32 v16, v30;
	v59 =	vld.idx.msk [tilespmem:v56+s24+$0x0], $0xffff  }
0x155: {  	v28 =	vadd.f32 v28, v33;
	v61 =	vor.u32 v22, v27;
	v37 =	vld.idx.msk [tilespmem:v56+s22+$0x0], $0xffff  }
0x156: {  	v62 =	vunpack.i.l.bf16.f32 v50;
	v50 =	vunpack.i.u.bf16.f32 v50;
	v25 =	vadd.f32 v29, v25;
	v60 =	vld.idx.msk [tilespmem:v35+s26+$0x0], $0xffff  }
0x157: {  	v4 =	vadd.f32 v62, v4;
	v28 =	vadd.f32 v50, v28;
	v63 =	vld.idx.msk [tilespmem:v26+s26+$0x0], $0xffff  }
0x158: {  	v51 =	vld.idx.msk [tilespmem:v35+s22+$0x0], $0xffff  }
0x159: {  	s13 =	sadd.s32 $0x20, s9;
	v25 =	vadd.f32 $1.000000000e+00, v25;
	v30 =	vor.u32 v22, v30;
	v4 =	vadd.f32 v28, v4;
	v52 =	vld.idx.msk [tilespmem:v38+s22+$0x0], $0xffff  }
0x15a: {  	v5 =	vor.u32 v16, v5;
	v53 =	vmov s13;
	v28 =	vld.idx.msk [tilespmem:v61+s22+$0x0], $0xffff  }
0x15b: {  	vm14 =	vlt.u32 v53, v2;
	v25 =	vmax.f32 v25, $0.0e+00;
	v4 =	vadd.f32 $1.000000000e+00, v4;
	v54 =	vld.idx.msk [tilespmem:v61+s24+$0x0], $0xffff  }
0x15c: {  	v25 =	vnsel vm14, $0x0, v25;
	v35 =	vld.idx.msk [tilespmem:v35+s24+$0x0], $0xffff  }
0x15d: {  	vm15 =	vlt.u32 v53, v3;
	v24 =	vadd.f32 v25, v24;
	v4 =	vmax.f32 v4, $0.0e+00;
	v40 =	vld.idx.msk [tilespmem:v61+s26+$0x0], $0xffff  }
0x15e: {  	v4 =	vnsel vm15, $0x0, v4;
	v41 =	vld.idx.msk [tilespmem:v30+s26+$0x0], $0xffff  }
0x15f: {  	v27 =	vor.u32 v16, v27;
	v24 =	vadd.f32 v4, v24;
	v4 =	vld.idx.msk [tilespmem:v5+s22+$0x0], $0xffff  }
0x160: {  	v55 =	vld.idx.msk [tilespmem:v26+s24+$0x0], $0xffff;
	v25 =	vadd.bf16 v31, v59  }
0x161: {  	v44 =	vld.idx.msk [tilespmem:v30+s24+$0x0], $0xffff;
	v37 =	vadd.bf16 v37, v37;
	v31 =	vsub.bf16 v59, v31  }
0x162: {  	v30 =	vld.idx.msk [tilespmem:v30+s22+$0x0], $0xffff;
	v36 =	vadd.bf16 v51, v51;
	v28 =	vadd.bf16 v28, v28  }
0x163: {  	v29 =	vld.idx.msk [tilespmem:v5+s26+$0x0], $0xffff;
	v45 =	vadd.bf16 v60, v35;
	v46 =	vsub.bf16 v54, v40  }
0x164: {  	v39 =	vimm.f32 $0.0e+00;
	s15 =	simm.s32 $0x5;
	v43 =	vld.idx.msk [tilespmem:v27+s22+$0x0], $0xffff;
	v34 =	vsub.bf16 v35, v60;
	v56 =	vadd.bf16 v40, v54  }
0x165: {  	v57 =	vadd.s32 s15, v0;
	v5 =	vld.idx.msk [tilespmem:v5+s24+$0x0], $0xffff;
	v33 =	vadd.bf16 v52, v52;
	v4 =	vadd.bf16 v4, v4  }
0x166: {  	v40 =	vand.u32 $0xFF, v57;
	v48 =	vsub.bf16 v55, v63;
	v59 =	vadd.bf16 v41, v44  }
0x167: {  	s15 =	simm.s32 $0x7;
	v47 =	vld.idx.msk [tilespmem:v38+s24+$0x0], $0xffff;
	v32 =	vadd.bf16 v63, v55;
	v30 =	vadd.bf16 v30, v30;
	v58 =	vor.u32 v22, v40  }
0x168: {  	v51 =	vld.idx.msk [tilespmem:v26+s22+$0x0], $0xffff;
	v26 =	vadd.s32 s15, v0;
	s15 =	simm.s32 $0x6;
	v41 =	vsub.bf16 v44, v41;
	v25 =	vsub.bf16 v25, v37  }
0x169: {  	v43 =	vadd.bf16 v43, v43;
	v40 =	vor.u32 v16, v40;
	v61 =	vadd.s32 s15, v0;
	v37 =	vld.idx.msk [tilespmem:v38+s26+$0x0], $0xffff  }
0x16a: {  	v28 =	vsub.bf16 v56, v28;
	v38 =	vsub.bf16 v5, v29;
	v25 =	vmul.bf16 v25, v31;
	v31 =	vld.idx.msk [tilespmem:v27+s24+$0x0], $0xffff  }
0x16b: {  	v30 =	vsub.bf16 v59, v30;
	v52 =	vand.u32 $0xFF, v61;
	v5 =	vadd.bf16 v29, v5;
	v27 =	vld.idx.msk [tilespmem:v27+s26+$0x0], $0xffff  }
0x16c: {  	v63 =	vand.u32 $0xFF, v26;
	v26 =	vor.u32 v16, v52;
	v59 =	vor.u32 v22, v52;
	v54 =	vld.idx.msk [tilespmem:v58+s26+$0x0], $0xffff  }
0x16d: {  	v4 =	vsub.bf16 v5, v4;
	v5 =	vmul.bf16 v28, v46;
	v30 =	vmul.bf16 v30, v41;
	v44 =	vld.idx.msk [tilespmem:v58+s24+$0x0], $0xffff  }
0x16e: {  	s13 =	simm.s32 $0x4;
	v51 =	vadd.bf16 v51, v51;
	v42 =	vunpack.i.l.bf16.f32 v25;
	v35 =	vld.idx.msk [tilespmem:v58+s22+$0x0], $0xffff;
	v58 =	vor.u32 v22, v63  }
0x16f: {  	v49 =	vunpack.i.u.bf16.f32 v25;
	v25 =	vadd.s32 s13, v0;
	v52 =	vld.idx.msk [tilespmem:v40+s22+$0x0], $0xffff;
	v4 =	vmul.bf16 v4, v38  }
0x170: {  	v57 =	vld.idx.msk [tilespmem:v40+s26+$0x0], $0xffff;
	v60 =	vand.u32 $0xFF, v25;
	v56 =	vsub.bf16 v47, v37;
	v37 =	vadd.bf16 v37, v47  }
0x171: {  	v40 =	vld.idx.msk [tilespmem:v40+s24+$0x0], $0xffff;
	v32 =	vsub.bf16 v32, v51;
	v53 =	vor.u32 v22, v60;
	v62 =	vadd.bf16 v27, v31  }
0x172: {  	v47 =	vor.u32 v16, v63;
	v25 =	vor.u32 v16, v60;
	v41 =	vld.idx.msk [tilespmem:v26+s22+$0x0], $0xffff;
	v28 =	vsub.bf16 v37, v33  }
0x173: {  	v31 =	vsub.bf16 v31, v27;
	v32 =	vmul.bf16 v32, v48;
	v43 =	vsub.bf16 v62, v43;
	v37 =	vld.idx.msk [tilespmem:v58+s22+$0x0], $0xffff  }
0x174: {  	v55 =	vadd.bf16 v54, v44;
	v48 =	vmul.bf16 v28, v56;
	v28 =	vadd.bf16 v52, v52;
	v52 =	vld.idx.msk [tilespmem:v58+s26+$0x0], $0xffff  }
0x175: {  	v35 =	vadd.bf16 v35, v35;
	v62 =	vsub.bf16 v44, v54;
	v63 =	vunpack.i.u.bf16.f32 v32;
	v44 =	vld.idx.msk [tilespmem:v59+s24+$0x0], $0xffff  }
0x176: {  	v32 =	vunpack.i.l.bf16.f32 v32;
	v54 =	vunpack.i.l.bf16.f32 v30;
	v61 =	vadd.f32 v63, v39;
	v29 =	vld.idx.msk [tilespmem:v53+s26+$0x0], $0xffff  }
0x177: {  	v32 =	vadd.f32 v32, v39;
	v27 =	vld.idx.msk [tilespmem:v25+s26+$0x0], $0xffff;
	v60 =	vmul.bf16 v43, v31;
	v31 =	vsub.bf16 v45, v36  }
0x178: {  	v43 =	vld.idx.msk [tilespmem:v58+s24+$0x0], $0xffff;
	v33 =	vsub.bf16 v55, v35;
	v58 =	vunpack.i.u.bf16.f32 v4;
	v46 =	vunpack.i.u.bf16.f32 v48  }
0x179: {  	v35 =	vld.idx.msk [tilespmem:v47+s22+$0x0], $0xffff;
	v4 =	vunpack.i.l.bf16.f32 v4;
	v63 =	vadd.f32 v58, v39;
	v45 =	vadd.f32 v49, v61  }
0x17a: {  	v56 =	vld.idx.msk [tilespmem:v25+s22+$0x0], $0xffff;
	v4 =	vadd.f32 v4, v39;
	v61 =	vadd.f32 v42, v32;
	v31 =	vmul.bf16 v31, v34  }
0x17b: {  	v36 =	vld.idx.msk [tilespmem:v26+s24+$0x0], $0xffff;
	v49 =	vunpack.i.l.bf16.f32 v48;
	v32 =	vadd.bf16 v57, v40;
	v39 =	vadd.bf16 v41, v41  }
0x17c: {  	v48 =	vld.idx.msk [tilespmem:v53+s24+$0x0], $0xffff;
	v38 =	vmul.bf16 v33, v62;
	v58 =	vadd.bf16 v37, v37;
	v62 =	vunpack.i.u.bf16.f32 v31  }
0x17d: {  	v34 =	vld.idx.msk [tilespmem:v59+s26+$0x0], $0xffff;
	v31 =	vunpack.i.l.bf16.f32 v31;
	v51 =	vadd.f32 v62, v63;
	v37 =	vsub.bf16 v43, v52  }
0x17e: {  	v33 =	vld.idx.msk [tilespmem:v47+s24+$0x0], $0xffff;
	v50 =	vunpack.i.u.bf16.f32 v60;
	v55 =	vadd.f32 v31, v4;
	v4 =	vadd.f32 v54, v61  }
0x17f: {  	v62 =	vunpack.i.l.bf16.f32 v5;
	v31 =	vsub.bf16 v40, v57;
	v40 =	vld.idx.msk [tilespmem:v47+s26+$0x0], $0xffff;
	v63 =	vadd.bf16 v52, v43  }
0x180: {  	v52 =	vunpack.i.u.bf16.f32 v30;
	v43 =	vld.idx.msk [tilespmem:v53+s22+$0x0], $0xffff;
	v47 =	vunpack.i.l.bf16.f32 v60;
	v41 =	vadd.bf16 v56, v56  }
0x181: {  	s11 =	simm.s32 $0x8;
	v53 =	vld.idx.msk [tilespmem:v59+s22+$0x0], $0xffff;
	v54 =	vunpack.i.u.bf16.f32 v5;
	v30 =	vadd.f32 v62, v4;
	v42 =	vsub.bf16 v63, v58  }
.LBB2_7:
0x182: {  	s13 =	sadd.s32 $0x1, s11  }
0x183: {  	p1 =	slt.u32 s11, $0xFC;
	v4 =	vld.idx.msk [tilespmem:v25+s24+$0x0], $0xffff;
	v5 =	vunpack.i.l.bf16.f32 v38;
	v49 =	vadd.f32 v49, v55;
	v25 =	vadd.f32 v46, v51;
	s15 =	smov.u32 s11;
	s11 =	sadd.s32 $0x4, s11  }
0x184: {  	v51 =	vsub.bf16 v48, v29;
	v55 =	vunpack.i.u.bf16.f32 v38;
	v46 =	vadd.s32 s13, v0  }
0x185: {  	v38 =	vand.u32 $0xFF, v46;
	v46 =	vadd.bf16 v34, v44;
	v50 =	vadd.f32 v50, v25  }
0x186: {  	s13 =	sadd.s32 $0x3, s15;
	v25 =	vadd.f32 v52, v45;
	v56 =	vor.u32 v16, v38;
	v38 =	vor.u32 v22, v38  }
0x187: {  	v48 =	vadd.bf16 v29, v48;
	v45 =	vadd.s32 s15, v0;
	v52 =	vadd.s32 s13, v0;
	v57 =	vld.idx.msk [tilespmem:v26+s26+$0x0], $0xffff  }
0x188: {  	v26 =	vand.u32 $0xFF, v45;
	v29 =	vadd.bf16 v53, v53;
	v45 =	vadd.f32 v54, v25  }
0x189: {  	s13 =	sadd.s32 $0x2, s15;
	v25 =	vor.u32 v16, v26;
	v53 =	vor.u32 v22, v26;
	v54 =	vsub.bf16 v4, v27  }
0x18a: {  	v58 =	vadd.bf16 v40, v33;
	v26 =	vadd.s32 s13, v0;
	v46 =	vsub.bf16 v46, v29  }
0x18b: {  	v34 =	vsub.bf16 v44, v34;
	v52 =	vand.u32 $0xFF, v52;
	v26 =	vand.u32 $0xFF, v26;
	v59 =	vld.idx.msk [tilespmem:v38+s26+$0x0], $0xffff  }
0x18c: {  	v35 =	vadd.bf16 v35, v35;
	v47 =	vadd.f32 v47, v49;
	v60 =	vor.u32 v22, v26;
	v44 =	vld.idx.msk [tilespmem:v38+s24+$0x0], $0xffff  }
0x18d: {  	v4 =	vadd.bf16 v27, v4;
	v26 =	vor.u32 v16, v26;
	v49 =	vsub.bf16 v36, v57;
	v38 =	vld.idx.msk [tilespmem:v38+s22+$0x0], $0xffff  }
0x18e: {  	v33 =	vsub.bf16 v33, v40;
	v62 =	vor.u32 v22, v52;
	v27 =	vadd.bf16 v43, v43;
	v61 =	vld.idx.msk [tilespmem:v56+s26+$0x0], $0xffff  }
0x18f: {  	v40 =	vor.u32 v16, v52;
	v35 =	vsub.bf16 v58, v35;
	v36 =	vadd.bf16 v57, v36;
	v29 =	vld.idx.msk [tilespmem:v53+s26+$0x0], $0xffff  }
0x190: {  	v4 =	vsub.bf16 v4, v41;
	v41 =	vsub.bf16 v48, v27;
	v57 =	vmul.bf16 v42, v37;
	v43 =	vld.idx.msk [tilespmem:v56+s22+$0x0], $0xffff  }
0x191: {  	v42 =	vmul.bf16 v35, v33;
	v36 =	vsub.bf16 v36, v39;
	v39 =	vmul.bf16 v46, v34;
	v27 =	vld.idx.msk [tilespmem:v25+s26+$0x0], $0xffff  }
0x192: {  	v28 =	vsub.bf16 v32, v28;
	v34 =	vmul.bf16 v41, v51;
	v33 =	vadd.bf16 v59, v44;
	v58 =	vld.idx.msk [tilespmem:v26+s22+$0x0], $0xffff  }
0x193: {  	v4 =	vmul.bf16 v4, v54;
	v32 =	vadd.bf16 v38, v38;
	v37 =	vld.idx.msk [tilespmem:v62+s22+$0x0], $0xffff  }
0x194: {  	v36 =	vmul.bf16 v36, v49;
	v35 =	vsub.bf16 v44, v59;
	v44 =	vunpack.i.u.bf16.f32 v34;
	v41 =	vld.idx.msk [tilespmem:v62+s24+$0x0], $0xffff  }
0x195: {  	v31 =	vmul.bf16 v28, v31;
	v32 =	vsub.bf16 v33, v32;
	v33 =	vunpack.i.l.bf16.f32 v34;
	v52 =	vld.idx.msk [tilespmem:v56+s24+$0x0], $0xffff  }
0x196: {  	v46 =	vunpack.i.u.bf16.f32 v4;
	v54 =	vunpack.i.l.bf16.f32 v39;
	v28 =	vadd.bf16 v43, v43;
	v43 =	vld.idx.msk [tilespmem:v62+s26+$0x0], $0xffff  }
0x197: {  	v38 =	vmul.bf16 v32, v35;
	v32 =	vadd.f32 v44, v45;
	v44 =	vunpack.i.u.bf16.f32 v31;
	v34 =	vld.idx.msk [tilespmem:v60+s26+$0x0], $0xffff  }
0x198: {  	v48 =	vadd.f32 v46, v50;
	v46 =	vunpack.i.u.bf16.f32 v36;
	v30 =	vadd.f32 v33, v30;
	v35 =	vld.idx.msk [tilespmem:v40+s22+$0x0], $0xffff  }
0x199: {  	v4 =	vunpack.i.l.bf16.f32 v4;
	v49 =	vunpack.i.l.bf16.f32 v36;
	v45 =	vadd.f32 v55, v32;
	v33 =	vld.idx.msk [tilespmem:v40+s24+$0x0], $0xffff  }
0x19a: {  	v4 =	vadd.f32 v4, v47;
	v31 =	vunpack.i.l.bf16.f32 v31;
	v51 =	vadd.f32 v44, v48;
	v56 =	vld.idx.msk [tilespmem:v25+s22+$0x0], $0xffff  }
0x19b: {  	v50 =	vunpack.i.u.bf16.f32 v42;
	v5 =	vadd.f32 v5, v30;
	v59 =	vadd.bf16 v37, v37;
	v36 =	vld.idx.msk [tilespmem:v26+s24+$0x0], $0xffff  }
.Ltmp4:
0x19c: {  	v30 =	vunpack.i.l.bf16.f32 v57;
	v32 =	vadd.bf16 v61, v52;
	v37 =	vsub.bf16 v41, v43;
	v48 =	vld.idx.msk [tilespmem:v53+s24+$0x0], $0xffff;
	(pc) =	sbr.rel @p1 .LBB2_7-.Ltmp4, $4  }
0x19d: {  	v55 =	vadd.f32 v31, v4;
	v4 =	vadd.f32 v54, v5;
	v44 =	vld.idx.msk [tilespmem:v60+s24+$0x0], $0xffff  }
0x19e: {  	v31 =	vsub.bf16 v52, v61;
	v52 =	vunpack.i.u.bf16.f32 v39;
	v5 =	vadd.bf16 v43, v41;
	v40 =	vld.idx.msk [tilespmem:v40+s26+$0x0], $0xffff  }
0x19f: {  	v47 =	vunpack.i.l.bf16.f32 v42;
	v39 =	vadd.bf16 v58, v58;
	v30 =	vadd.f32 v30, v4;
	v43 =	vld.idx.msk [tilespmem:v53+s22+$0x0], $0xffff  }
0x1a0: {  	v54 =	vunpack.i.u.bf16.f32 v57;
	v42 =	vsub.bf16 v5, v59;
	v41 =	vadd.bf16 v56, v56;
	v53 =	vld.idx.msk [tilespmem:v60+s22+$0x0], $0xffff  }
0x1a1: {  	_ =	sdelay $0x3  }
0x1a2: {  	v4 =	vld.idx.msk [tilespmem:v25+s24+$0x0], $0xffff;
	v5 =	vadd.f32 v49, v55;
	v25 =	vadd.f32 v46, v51  }
0x1a3: {  	v57 =	vsub.bf16 v48, v29;
	v45 =	vadd.f32 v52, v45  }
0x1a4: {  	v60 =	vadd.bf16 v29, v48;
	v35 =	vadd.bf16 v35, v35  }
0x1a5: {  	v28 =	vsub.bf16 v32, v28;
	v58 =	vadd.bf16 v34, v44  }
0x1a6: {  	v26 =	vld.idx.msk [tilespmem:v26+s26+$0x0], $0xffff;
	v63 =	vsub.bf16 v44, v34;
	v25 =	vadd.f32 v50, v25  }
0x1a7: {  	v45 =	vadd.f32 v54, v45;
	v62 =	vadd.bf16 v40, v33  }
0x1a8: {  	v5 =	vadd.f32 v47, v5;
	v51 =	vsub.bf16 v33, v40  }
0x1a9: {  	v59 =	vadd.bf16 v53, v53;
	v35 =	vsub.bf16 v62, v35  }
0x1aa: {  	v52 =	vunpack.i.l.bf16.f32 v38;
	v61 =	vsub.bf16 v4, v27;
	v4 =	vadd.bf16 v27, v4  }
0x1ab: {  	v54 =	vmul.bf16 v42, v37;
	v27 =	vadd.bf16 v43, v43;
	v47 =	vsub.bf16 v36, v26  }
0x1ac: {  	v28 =	vmul.bf16 v28, v31;
	v26 =	vadd.bf16 v26, v36;
	v49 =	vsub.bf16 v58, v59  }
0x1ad: {  	v53 =	vunpack.i.u.bf16.f32 v38;
	v27 =	vsub.bf16 v60, v27;
	v4 =	vsub.bf16 v4, v41  }
0x1ae: {  	v55 =	vmul.bf16 v35, v51;
	v59 =	vunpack.i.u.bf16.f32 v28;
	v26 =	vsub.bf16 v26, v39  }
0x1af: {  	v28 =	vunpack.i.l.bf16.f32 v28;
	v27 =	vmul.bf16 v27, v57;
	v4 =	vmul.bf16 v4, v61  }
0x1b0: {  	v34 =	vmul.bf16 v49, v63;
	v62 =	vunpack.i.l.bf16.f32 v55;
	v26 =	vmul.bf16 v26, v47  }
0x1b1: {  	v56 =	vunpack.i.u.bf16.f32 v27;
	v57 =	vunpack.i.u.bf16.f32 v4;
	v4 =	vunpack.i.l.bf16.f32 v4  }
0x1b2: {  	v27 =	vunpack.i.l.bf16.f32 v27;
	v25 =	vadd.f32 v57, v25;
	v4 =	vadd.f32 v4, v5  }
0x1b3: {  	v58 =	vunpack.i.l.bf16.f32 v34;
	v27 =	vadd.f32 v27, v30;
	v5 =	vadd.f32 v56, v45  }
0x1b4: {  	v60 =	vunpack.i.u.bf16.f32 v26;
	v25 =	vadd.f32 v59, v25;
	v4 =	vadd.f32 v28, v4  }
0x1b5: {  	v26 =	vunpack.i.l.bf16.f32 v26;
	v27 =	vadd.f32 v52, v27;
	v5 =	vadd.f32 v53, v5  }
0x1b6: {  	v25 =	vadd.f32 v60, v25;
	v4 =	vadd.f32 v26, v4;
	v26 =	vunpack.i.u.bf16.f32 v34  }
0x1b7: {  	v61 =	vunpack.i.u.bf16.f32 v55;
	v27 =	vadd.f32 v58, v27;
	v5 =	vadd.f32 v26, v5  }
0x1b8: {  	v63 =	vunpack.i.l.bf16.f32 v54;
	v25 =	vadd.f32 v61, v25;
	v4 =	vadd.f32 v62, v4  }
0x1b9: {  	v26 =	vadd.f32 v63, v27;
	v27 =	vunpack.i.u.bf16.f32 v54  }
0x1ba: {  	v5 =	vadd.f32 v27, v5;
	v4 =	vadd.f32 v25, v4;
	_ =	sdelay $0x1  }
0x1bb: {  	s11 =	sadd.s32 $0x40, s9;
	v5 =	vadd.f32 v5, v26;
	v4 =	vadd.f32 $1.000000000e+00, v4  }
0x1bc: {  	v25 =	vmov s11  }
.Ltmp5:
0x1bd: {  	vm0 =	vlt.u32 v25, v2;
	v5 =	vadd.f32 $1.000000000e+00, v5;
	v4 =	vmax.f32 v4, $0.0e+00;
	(pc) =	sbr.rel @p0 .LBB2_10-.Ltmp5, $4  }
0x1be: {  	v4 =	vnsel vm0, $0x0, v4  }
0x1bf: {  	vm15 =	vlt.u32 v25, v3;
	v5 =	vmax.f32 v5, $0.0e+00;
	v4 =	vadd.f32 v4, v24  }
0x1c0: {  	v5 =	vnsel vm15, $0x0, v5  }
0x1c1: {  	v24 =	vadd.f32 v5, v4  }
0x1c2: {  	s9 =	sadd.s32 $0xA0, s9  }
0x1c3: {  	v4 =	vor.u32 s9, v0  }
0x1c4: {  	vm0 =	vlt.s32 v4, $0x186F  }
0x1c5: {  	v4 =	vnsel vm0, $0x186F, v4  }
0x1c6: {  	v4 =	vshll.u32 v4, $0x3;
	_ =	sdelay $0x1  }
0x1c7: {  	v5 =	vor.u32 $0x10, v0  }
0x1c8: {  	v5 =	vor.u32 s9, v5  }
0x1c9: {  	vm15 =	vlt.s32 v5, $0x186F  }
0x1ca: {  	v5 =	vnsel vm15, $0x186F, v5;
	v25 =	vld.idx.msk [tilespmem:v4+s2+$0x0], $0xffff  }
0x1cb: {  	v5 =	vshll.u32 v5, $0x3;
	_ =	sdelay $0x3  }
0x1cc: {  	[tilespmem:$0xC440] =	vst v25  }
0x1cd: {  	v25 =	vld.idx.msk [tilespmem:v5+s2+$0x0], $0xffff  }
0x1ce: {  	v26 =	vor.u32 $0x1, v4;
	_ =	sdelay $0x3  }
0x1cf: {  	[tilespmem:$0xC450] =	vst v25  }
0x1d0: {  	v25 =	vld.idx.msk [tilespmem:v26+s2+$0x0], $0xffff  }
0x1d1: {  	v26 =	vor.u32 $0x1, v5;
	_ =	sdelay $0x3  }
0x1d2: {  	[tilespmem:$0xC460] =	vst v25  }
0x1d3: {  	v25 =	vld.idx.msk [tilespmem:v26+s2+$0x0], $0xffff  }
0x1d4: {  	v4 =	vor.u32 $0x2, v4;
	_ =	sdelay $0x3  }
0x1d5: {  	[tilespmem:$0xC470] =	vst v25  }
0x1d6: {  	v4 =	vld.idx.msk [tilespmem:v4+s2+$0x0], $0xffff  }
0x1d7: {  	v5 =	vor.u32 $0x2, v5;
	_ =	sdelay $0x3  }
0x1d8: {  	[tilespmem:$0xC480] =	vst v4  }
0x1d9: {  	v4 =	vld.idx.msk [tilespmem:v5+s2+$0x0], $0xffff;
	_ =	sdelay $0x4  }
0x1da: {  	[tilespmem:$0xC490] =	vst v4  }
0x1db: {  	[tilespmem:s22], [sflag:$0x3] =	stream.indirect.gather [hbm4b:s3+s8], $0x100, s21, s8, $0xb8;
	[tilespmem:$0x1E4B0] =	vst v63  }
.Ltmp6:
0x1dc: {  	_ = 	snop;
	(pc) =	sbr.rel .LBB2_2-.Ltmp6, $4  }
0x1dd: {  	_ = 	snop  }
0x1de: {  	[tilespmem:s24], [sflag:$0x3] =	stream.indirect.gather [hbm4b:s3+s8], $0x100, s23, s8, $0xb8;
	[tilespmem:$0x1E4B0] =	vst v63  }
0x1df: {  	s0 =	sadd.s32 $0x1, s0  }
0x1e0: {  	[tilespmem:s26], [sflag:$0x3] =	stream.indirect.gather [hbm4b:s3+s8], $0x100, s25, s8, $0xb8;
	[tilespmem:$0x1E4B0] =	vst v63  }
.LBB2_11:
0x1e1: {  	_ =	sfence.sel $0x180000  }
0x1e2: {  	[bflag:$0x0] =	sbarrier.arrive $0xFFFF  }
0x1e3: {  	_ =	strace $0x90000047  }
0x1e4: {  	s0 =	stileid.u32;
	[bflag:$0x2] =	sbarrier.arrive $0xFFFF  }
0x1e5: {  	p0 =	sne.s32 s0, $0x0;
	s0 =	rddreg [dreg:$0x2]  }
0x1e6: {  	s0 =	sadd.s32 @!p0 $0x100000, s0  }
0x1e7: {  	[sflag:s0] =	ssyncadd.tile.s32 @!p0 $0x1;
	_ =	shalt  }
.Lfunc_end2:
_tile_overlayer_lowered:
.L_overlay_start_2:
0x1e8: {  	(tag) =	ssettag $0x2  }
0x1e9: {  	s0 =	rddreg [dreg:$0x0];
	s2 =	stileid.u32  }
0x1ea: {  	s1 =	rddreg [dreg:$0x1];
	p0 =	sne.s32 s2, $0x0  }
0x1eb: {  	s3 =	rddreg [dreg:$0x2];
	[bflag:$0x3] =	sbarrier.arrive $0xFFFF;
	s2 =	simm.s32 @!p0 $0x1C04  }
0x1ec: {  	[timem:s3], [sflag:s2] =	dma.local @!p0 [hbm:s0], s1  }
0x1ed: {  	s0 =	simm.s32 @!p0 $0x4  }
0x1ee: {  	_ =	swait.ge @!p0 [sflag:s0], s1  }
0x1ef: {  	s1 =	ssub.s32 @!p0 $0x0, s1;
	[sflag:s0] =	ssyncset.done @!p0 $0x0  }
0x1f0: {  	[sflag:s0] =	ssyncadd.s32 @!p0 s1  }
0x1f1: {  	[bflag:$0x3] =	sbarrier.arrive $0xFFFF  }
0x1f2: {  	_ =	shalt  }

</sc_bundles>
